<compile_context>
chip_gen: v7x
topology: tpu7x:2x2x1
jax: 0.10.2.dev20260603
libtpu: 0.0.44.dev20260713+nightly
codegen_flags: <defaults>
</compile_context>

<pallas_src>
import jax
import jax.numpy as jnp
from jax import lax
from jax.experimental import pallas as pl
from jax.experimental.pallas import tpu as pltpu
from jax.experimental.pallas import tpu_sc as plsc

N = 10000
E_TOT = 320000
D_IN = 128
D_H = 64
D_PAD = 128
N_PAD = 10240
NC = 2
NS = 16
HALF = N_PAD // NC
DUMP = HALF
ACC_ROWS = HALF + 256
ACC_PER_TILE = ACC_ROWS // NS
OUT_PER_TILE = HALF // NS
CHUNK = 80
NCHUNK = 250
E_PAD = NS * NCHUNK * CHUNK
_EB = E_PAD // 128


def _dotT(x, w):
    return lax.dot_general(x, w, (((1,), (1,)), ((), ())),
                           preferred_element_type=jnp.float32)


def _make_seg_sum():
    mesh = plsc.VectorSubcoreMesh(core_axis_name="c", subcore_axis_name="s")
    out_type = [jax.ShapeDtypeStruct((N_PAD, D_PAD), jnp.float32)]
    scratch = [
        pltpu.VMEM((NCHUNK, CHUNK), jnp.int32),
        pltpu.VMEM((NCHUNK * CHUNK,), jnp.int32),
        pltpu.VMEM((CHUNK, D_PAD), jnp.float32),
        pltpu.VMEM((CHUNK, D_PAD), jnp.float32),
        pltpu.VMEM_SHARED((ACC_ROWS, D_PAD), jnp.float32),
    ] + [pltpu.SemaphoreType.DMA] * 2

    def body(y_hbm, src_hbm, rdst_hbm, z2_hbm, out_hbm,
             src_v, dst_v, b0, b1, acc_sh, gs0, gs1):
        bufs = (b0, b1)
        gsem = (gs0, gs1)
        c = lax.axis_index("c")
        s = lax.axis_index("s")
        pltpu.sync_copy(src_hbm.at[s], src_v)
        pltpu.sync_copy(rdst_hbm.at[c, s], dst_v)
        a0 = s * ACC_PER_TILE
        pltpu.sync_copy(z2_hbm.at[pl.ds(a0, ACC_PER_TILE)],
                        acc_sh.at[pl.ds(a0, ACC_PER_TILE)])
        plsc.subcore_barrier()

        def fire_g(j, b):
            pltpu.async_copy(y_hbm.at[src_v.at[j]], bufs[b], gsem[b])

        def wait_g(j, b):
            pltpu.make_async_copy(y_hbm.at[src_v.at[j]], bufs[b],
                                  gsem[b]).wait()

        def scat(j, b):
            pltpu.sync_copy(bufs[b],
                            acc_sh.at[dst_v.at[pl.ds(j * CHUNK, CHUNK)]],
                            add=True)

        fire_g(0, 0)
        fire_g(1, 1)

        def loop_body(t, carry):
            j0 = 2 * t
            wait_g(j0, 0)
            scat(j0, 0)
            fire_g(j0 + 2, 0)
            wait_g(j0 + 1, 1)
            scat(j0 + 1, 1)
            fire_g(j0 + 3, 1)
            return carry

        lax.fori_loop(0, NCHUNK // 2 - 1, loop_body, 0)
        wait_g(NCHUNK - 2, 0)
        scat(NCHUNK - 2, 0)
        wait_g(NCHUNK - 1, 1)
        scat(NCHUNK - 1, 1)

        plsc.subcore_barrier()
        o0 = s * OUT_PER_TILE
        pltpu.sync_copy(acc_sh.at[pl.ds(o0, OUT_PER_TILE)],
                        out_hbm.at[pl.ds(c * HALF + o0, OUT_PER_TILE)])

    return pl.kernel(body, mesh=mesh, out_type=out_type, scratch_types=scratch)


_R = 2000


def _remap_dst(dst2d):
    def body(d_ref, r0_ref, r1_ref):
        d = d_ref[...]
        r0_ref[...] = jnp.where(d < HALF, d, DUMP)
        r1_ref[...] = jnp.where(d >= HALF, d - HALF, DUMP)

    blk = pl.BlockSpec((_EB, 128), lambda: (0, 0))
    return pl.pallas_call(
        body,
        in_specs=[blk],
        out_specs=[blk, blk],
        out_shape=[jax.ShapeDtypeStruct((_EB, 128), jnp.int32)] * 2,
    )(dst2d)


def _with_count_col(y):
    r, _ = y.shape
    pad = jnp.concatenate(
        [jnp.ones((r, 1), jnp.float32),
         jnp.zeros((r, D_PAD - D_H - 1), jnp.float32)], axis=1)
    return jnp.concatenate([y, pad], axis=1)


def _stage_a(X, Wl1, Wr1):
    def body(x_ref, wl_ref, wr_ref, xw_ref, y_ref):
        x = x_ref[...]
        xw_ref[...] = _dotT(x, wl_ref[...])
        y_ref[...] = _with_count_col(_dotT(x, wr_ref[...]))

    return pl.pallas_call(
        body,
        grid=(N // _R,),
        in_specs=[pl.BlockSpec((_R, D_IN), lambda i: (i, 0)),
                  pl.BlockSpec((D_H, D_IN), lambda i: (0, 0)),
                  pl.BlockSpec((D_H, D_IN), lambda i: (0, 0))],
        out_specs=[pl.BlockSpec((_R, D_H), lambda i: (i, 0)),
                   pl.BlockSpec((_R, D_PAD), lambda i: (i, 0))],
        out_shape=[jax.ShapeDtypeStruct((N, D_H), jnp.float32),
                   jax.ShapeDtypeStruct((N_PAD, D_PAD), jnp.float32)],
    )(X, Wl1, Wr1)


def _sage_finish(xw, ssum, cnt, b):
    out = xw + ssum / jnp.maximum(cnt, 1.0) + b
    nrm = jnp.sqrt(jnp.sum(out * out, axis=1, keepdims=True))
    return jnp.maximum(out / jnp.maximum(nrm, 1e-12), 0.0)


def _sage_finish_p(xw, p, b):
    cnt = jnp.maximum(p[:, D_H:D_H + 1], 1.0)
    out = xw + p[:, :D_H] / cnt + b
    nrm = jnp.sqrt(jnp.sum(out * out, axis=1, keepdims=True))
    return jnp.maximum(out / jnp.maximum(nrm, 1e-12), 0.0), cnt


def _stage_b(XW1, P1, b1, Wl2, Wr2):
    def body(xw_ref, p_ref, b_ref, wl_ref, wr_ref, xw2_ref, y2_ref, c_ref):
        h, cnt = _sage_finish_p(xw_ref[...], p_ref[...], b_ref[...])
        c_ref[...] = cnt
        xw2_ref[...] = _dotT(h, wl_ref[...])
        y2_ref[...] = _with_count_col(_dotT(h, wr_ref[...]))

    row = pl.BlockSpec((_R, D_H), lambda i: (i, 0))
    wide = pl.BlockSpec((_R, D_PAD), lambda i: (i, 0))
    cst = pl.BlockSpec((1, D_H), lambda i: (0, 0))
    wsp = pl.BlockSpec((D_H, D_H), lambda i: (0, 0))
    return pl.pallas_call(
        body,
        grid=(N // _R,),
        in_specs=[row, wide, cst, wsp, wsp],
        out_specs=[row, wide, pl.BlockSpec((_R, 1), lambda i: (i, 0))],
        out_shape=[jax.ShapeDtypeStruct((N, D_H), jnp.float32),
                   jax.ShapeDtypeStruct((N_PAD, D_PAD), jnp.float32),
                   jax.ShapeDtypeStruct((N, 1), jnp.float32)],
    )(XW1, P1, b1, Wl2, Wr2)


def _stage_c(XW2, P2, C, b2, Wp1, bp1, Wp2, bp2):
    def body(xw_ref, p_ref, c_ref, b_ref, wp1_ref, bp1_ref, wp2_ref, bp2_ref,
             o_ref):
        p = p_ref[...]
        out = xw_ref[...] + p[:, :D_H] / c_ref[...] + b_ref[...]
        nrm = jnp.sqrt(jnp.sum(out * out, axis=1, keepdims=True))
        h = jnp.maximum(out / jnp.maximum(nrm, 1e-12), 0.0)
        h = _dotT(h, wp1_ref[...]) + bp1_ref[...]
        o_ref[...] = _dotT(h, wp2_ref[...]) + bp2_ref[...]

    row = pl.BlockSpec((_R, D_H), lambda i: (i, 0))
    wide = pl.BlockSpec((_R, D_PAD), lambda i: (i, 0))
    col = pl.BlockSpec((_R, 1), lambda i: (i, 0))
    cst = pl.BlockSpec((1, D_H), lambda i: (0, 0))
    wsp = pl.BlockSpec((D_H, D_H), lambda i: (0, 0))
    return pl.pallas_call(
        body,
        grid=(N // _R,),
        in_specs=[row, wide, col, cst, wsp, cst, wsp, cst],
        out_specs=row,
        out_shape=jax.ShapeDtypeStruct((N, D_H), jnp.float32),
    )(XW2, P2, C, b2, Wp1, bp1, Wp2, bp2)


def kernel(X, E, Wl1, bl1, Wr1, br1, Wl2, bl2, Wr2, br2, Wp1, bp1, Wp2, bp2):
    npad = E_PAD - E_TOT
    src = jnp.concatenate(
        [E[0].astype(jnp.int32), jnp.zeros((npad,), jnp.int32)]
    ).reshape(NS, NCHUNK, CHUNK)
    dpad = jnp.concatenate(
        [E[1].astype(jnp.int32), jnp.full((npad,), N_PAD, jnp.int32)])
    r0, r1 = _remap_dst(dpad.reshape(_EB, 128))
    rdst = jnp.stack([r0.reshape(NS, NCHUNK * CHUNK),
                      r1.reshape(NS, NCHUNK * CHUNK)])
    z2 = jnp.zeros((ACC_ROWS, D_PAD), jnp.float32)
    b1 = (bl1 + br1).reshape(1, D_H)
    b2 = (bl2 + br2).reshape(1, D_H)

    XW1, Y1 = _stage_a(X, Wl1, Wr1)

    seg = _make_seg_sum()
    P1 = seg(Y1, src, rdst, z2)
    if isinstance(P1, (list, tuple)):
        P1 = P1[0]

    XW2, Y2, C = _stage_b(XW1, P1, b1, Wl2, Wr2)

    P2 = seg(Y2, src, rdst, z2)
    if isinstance(P2, (list, tuple)):
        P2 = P2[0]

    return _stage_c(XW2, P2, C, b2,
                    Wp1, bp1.reshape(1, D_H), Wp2, bp2.reshape(1, D_H))

# --- scband reference (transcript-rebuilt; emitter-appended) ---
"""Pipeline reference for scband-mapred-net-33887291966072 (READ-ONLY COPY).

The authoritative reference and input builder live on the scoring server;
editing this copy changes nothing except your own understanding.
"""

import jax, jax.numpy as jnp
import numpy as np

N = 10000
E = 320000
D_IN = 128
D_H = 64
D_OUT = 64


def _xavier(key, shape):
    fan_out, fan_in = shape
    lim = float(np.sqrt(6.0 / (fan_in + fan_out)))
    return jax.random.uniform(key, shape, minval=-lim, maxval=lim, dtype=jnp.float32)


def setup_inputs(seed: int = 0) -> dict:
    key = jax.random.key(seed)
    ks = jax.random.split(key, 16)
    X = jax.random.normal(ks[0], (N, D_IN), dtype=jnp.float32)
    E_idx = jax.random.randint(ks[1], (2, E), 0, N)
    return {
        "X": X,
        "E": E_idx,
        "Wl1": _xavier(ks[2], (D_H, D_IN)), "bl1": jnp.zeros((D_H,), jnp.float32),
        "Wr1": _xavier(ks[3], (D_H, D_IN)), "br1": jnp.zeros((D_H,), jnp.float32),
        "Wl2": _xavier(ks[4], (D_H, D_H)), "bl2": jnp.zeros((D_H,), jnp.float32),
        "Wr2": _xavier(ks[5], (D_H, D_H)), "br2": jnp.zeros((D_H,), jnp.float32),
        "Wp1": _xavier(ks[6], (D_H, D_H)), "bp1": jnp.zeros((D_H,), jnp.float32),
        "Wp2": _xavier(ks[7], (D_OUT, D_H)), "bp2": jnp.zeros((D_OUT,), jnp.float32),
    }


def _sage_layer(x, src, dst, Wl, bl, Wr, br):
    # GraphSage: message = x_j (x gathered at source), aggregate = scatter-mean by dst
    n = x.shape[0]
    msg = jnp.take(x, src, axis=0)
    ssum = jax.ops.segment_sum(msg, dst, num_segments=n)
    cnt = jax.ops.segment_sum(jnp.ones((src.shape[0],), dtype=x.dtype), dst, num_segments=n)
    prop = ssum / jnp.maximum(cnt, 1.0)[:, None]
    out = x @ Wl.T + bl + prop @ Wr.T + br
    # F.normalize(out, p=2) -> per-row L2 normalize with eps clamp
    nrm = jnp.sqrt(jnp.sum(out * out, axis=1, keepdims=True))
    return out / jnp.maximum(nrm, 1e-12)


def reference(X, E, Wl1, bl1, Wr1, br1, Wl2, bl2, Wr2, br2, Wp1, bp1, Wp2, bp2):
    src = E[0]
    dst = E[1]
    h = _sage_layer(X, src, dst, Wl1, bl1, Wr1, br1)
    h = jax.nn.relu(h)
    # dropout (p=0.25) treated as identity (eval mode) for deterministic reference
    h = _sage_layer(h, src, dst, Wl2, bl2, Wr2, br2)
    h = jax.nn.relu(h)
    h = h @ Wp1.T + bp1
    h = h @ Wp2.T + bp2
    return h

if __name__ == "__main__":
    import jax
    _d = setup_inputs()
    print(jax.jit(kernel)(*tuple(_d.values())))

</pallas_src>

<mosaic_0001>
#map = affine_map<(d0, d1) -> (0, 0)>
#map1 = affine_map<(d0, d1) -> (0, 0, 0)>
module attributes {stable_mosaic.version = 14 : i64} {
  func.func @body(%arg0: i32, %arg1: i32, %arg2: memref<10240x128xf32, #tpu.memory_space<hbm>>, %arg3: memref<16x250x80xi32, #tpu.memory_space<hbm>>, %arg4: memref<2x16x20000xi32, #tpu.memory_space<hbm>>, %arg5: memref<5376x128xf32, #tpu.memory_space<hbm>>, %arg6: memref<10240x128xf32, #tpu.memory_space<hbm>>, %arg7: memref<250x80xi32, #tpu.memory_space<vmem>>, %arg8: memref<20000xi32, #tpu.memory_space<vmem>>, %arg9: memref<80x128xf32, #tpu.memory_space<vmem>>, %arg10: memref<80x128xf32, #tpu.memory_space<vmem>>, %arg11: memref<5376x128xf32, #tpu.memory_space<vmem_shared>>, %arg12: memref<!tpu.dma_semaphore, #tpu.memory_space<semaphore_mem>>, %arg13: memref<!tpu.dma_semaphore, #tpu.memory_space<semaphore_mem>>) attributes {dimension_semantics = [#tpu.dimension_semantics<core_parallel>, #tpu.dimension_semantics<subcore_parallel>], iteration_bounds = array<i64: 2, 16>, scalar_prefetch = 0 : i64, scratch_operands = 7 : i64, tpu.core_type = #tpu.core_type<sc_vector_subcore>, window_params = [{transform_indices = #map}, {transform_indices = #map1}, {transform_indices = #map1}, {transform_indices = #map}, {transform_indices = #map}]} {
    "tpu.region"() ({
      %run_scoped3A = tpu.sem_alloc : memref<!tpu.dma_semaphore, #tpu.memory_space<semaphore_mem>>
      %dma_start3A_37 = arith.constant 0 : i32
      %dma_start3A_38 = arith.constant 0 : i32
      %dma_start3A_39 = tpu.memref_slice %arg3[%arg1, %dma_start3A_37, %dma_start3A_38] : memref<16x250x80xi32, #tpu.memory_space<hbm>> -> memref<1x250x80xi32, #tpu.memory_space<hbm>>
      %dma_start3A_40 = tpu.memref_squeeze %dma_start3A_39 : memref<1x250x80xi32, #tpu.memory_space<hbm>> -> memref<250x80xi32, #tpu.memory_space<hbm>>
      %dma_start3A_41 = arith.constant 0 : i32
      %dma_start3A_42 = arith.constant 0 : i32
      %dma_start3A_43 = tpu.memref_slice %arg3[%arg1, %dma_start3A_41, %dma_start3A_42] : memref<16x250x80xi32, #tpu.memory_space<hbm>> -> memref<1x250x80xi32, #tpu.memory_space<hbm>>
      %dma_start3A_44 = tpu.memref_squeeze %dma_start3A_43 : memref<1x250x80xi32, #tpu.memory_space<hbm>> -> memref<250x80xi32, #tpu.memory_space<hbm>>
      tpu.enqueue_dma source(%dma_start3A_44 : memref<250x80xi32, #tpu.memory_space<hbm>>) target(%arg7 : memref<250x80xi32, #tpu.memory_space<vmem>>) target_semaphore(%run_scoped3A : memref<!tpu.dma_semaphore, #tpu.memory_space<semaphore_mem>>)
      %dma_wait3A_45 = arith.constant 0 : i32
      %dma_wait3A_46 = arith.constant 0 : i32
      %dma_wait3A_47 = tpu.memref_slice %arg3[%arg1, %dma_wait3A_45, %dma_wait3A_46] : memref<16x250x80xi32, #tpu.memory_space<hbm>> -> memref<1x250x80xi32, #tpu.memory_space<hbm>>
      %dma_wait3A_48 = tpu.memref_squeeze %dma_wait3A_47 : memref<1x250x80xi32, #tpu.memory_space<hbm>> -> memref<250x80xi32, #tpu.memory_space<hbm>>
      %dma_wait3A_49 = arith.constant 0 : i32
      %dma_wait3A_50 = arith.constant 0 : i32
      %dma_wait3A_51 = tpu.memref_slice %arg3[%arg1, %dma_wait3A_49, %dma_wait3A_50] : memref<16x250x80xi32, #tpu.memory_space<hbm>> -> memref<1x250x80xi32, #tpu.memory_space<hbm>>
      %dma_wait3A_52 = tpu.memref_squeeze %dma_wait3A_51 : memref<1x250x80xi32, #tpu.memory_space<hbm>> -> memref<250x80xi32, #tpu.memory_space<hbm>>
      tpu.wait_dma2 semaphore(%run_scoped3A : memref<!tpu.dma_semaphore, #tpu.memory_space<semaphore_mem>>) src(%dma_wait3A_52 : memref<250x80xi32, #tpu.memory_space<hbm>>) dst(%arg7 : memref<250x80xi32, #tpu.memory_space<vmem>>)
      tpu.yield
    }) : () -> ()
    "tpu.region"() ({
      %run_scoped3A = tpu.sem_alloc : memref<!tpu.dma_semaphore, #tpu.memory_space<semaphore_mem>>
      %dma_start3A_37 = arith.constant 0 : i32
      %dma_start3A_38 = tpu.memref_slice %arg4[%arg0, %arg1, %dma_start3A_37] : memref<2x16x20000xi32, #tpu.memory_space<hbm>> -> memref<1x1x20000xi32, #tpu.memory_space<hbm>>
      %dma_start3A_39 = tpu.memref_squeeze %dma_start3A_38 : memref<1x1x20000xi32, #tpu.memory_space<hbm>> -> memref<20000xi32, #tpu.memory_space<hbm>>
      %dma_start3A_40 = arith.constant 0 : i32
      %dma_start3A_41 = tpu.memref_slice %arg4[%arg0, %arg1, %dma_start3A_40] : memref<2x16x20000xi32, #tpu.memory_space<hbm>> -> memref<1x1x20000xi32, #tpu.memory_space<hbm>>
      %dma_start3A_42 = tpu.memref_squeeze %dma_start3A_41 : memref<1x1x20000xi32, #tpu.memory_space<hbm>> -> memref<20000xi32, #tpu.memory_space<hbm>>
      tpu.enqueue_dma source(%dma_start3A_42 : memref<20000xi32, #tpu.memory_space<hbm>>) target(%arg8 : memref<20000xi32, #tpu.memory_space<vmem>>) target_semaphore(%run_scoped3A : memref<!tpu.dma_semaphore, #tpu.memory_space<semaphore_mem>>)
      %dma_wait3A_43 = arith.constant 0 : i32
      %dma_wait3A_44 = tpu.memref_slice %arg4[%arg0, %arg1, %dma_wait3A_43] : memref<2x16x20000xi32, #tpu.memory_space<hbm>> -> memref<1x1x20000xi32, #tpu.memory_space<hbm>>
      %dma_wait3A_45 = tpu.memref_squeeze %dma_wait3A_44 : memref<1x1x20000xi32, #tpu.memory_space<hbm>> -> memref<20000xi32, #tpu.memory_space<hbm>>
      %dma_wait3A_46 = arith.constant 0 : i32
      %dma_wait3A_47 = tpu.memref_slice %arg4[%arg0, %arg1, %dma_wait3A_46] : memref<2x16x20000xi32, #tpu.memory_space<hbm>> -> memref<1x1x20000xi32, #tpu.memory_space<hbm>>
      %dma_wait3A_48 = tpu.memref_squeeze %dma_wait3A_47 : memref<1x1x20000xi32, #tpu.memory_space<hbm>> -> memref<20000xi32, #tpu.memory_space<hbm>>
      tpu.wait_dma2 semaphore(%run_scoped3A : memref<!tpu.dma_semaphore, #tpu.memory_space<semaphore_mem>>) src(%dma_wait3A_48 : memref<20000xi32, #tpu.memory_space<hbm>>) dst(%arg8 : memref<20000xi32, #tpu.memory_space<vmem>>)
      tpu.yield
    }) : () -> ()
    %mul3A = arith.constant 336 : i32
    %mul3A_0 = arith.muli %arg1, %mul3A : i32
    "tpu.region"() ({
      %run_scoped3A = tpu.sem_alloc : memref<!tpu.dma_semaphore, #tpu.memory_space<semaphore_mem>>
      %dma_start3A_37 = arith.constant 0 : i32
      %dma_start3A_38 = tpu.memref_slice %arg11[%mul3A_0, %dma_start3A_37] : memref<5376x128xf32, #tpu.memory_space<vmem_shared>> -> memref<336x128xf32, #tpu.memory_space<vmem_shared>>
      %dma_start3A_39 = arith.constant 0 : i32
      %dma_start3A_40 = tpu.memref_slice %arg5[%mul3A_0, %dma_start3A_39] : memref<5376x128xf32, #tpu.memory_space<hbm>> -> memref<336x128xf32, #tpu.memory_space<hbm>>
      tpu.enqueue_dma source(%dma_start3A_40 : memref<336x128xf32, #tpu.memory_space<hbm>>) target(%dma_start3A_38 : memref<336x128xf32, #tpu.memory_space<vmem_shared>>) target_semaphore(%run_scoped3A : memref<!tpu.dma_semaphore, #tpu.memory_space<semaphore_mem>>)
      %dma_wait3A_41 = arith.constant 0 : i32
      %dma_wait3A_42 = tpu.memref_slice %arg11[%mul3A_0, %dma_wait3A_41] : memref<5376x128xf32, #tpu.memory_space<vmem_shared>> -> memref<336x128xf32, #tpu.memory_space<vmem_shared>>
      %dma_wait3A_43 = arith.constant 0 : i32
      %dma_wait3A_44 = tpu.memref_slice %arg5[%mul3A_0, %dma_wait3A_43] : memref<5376x128xf32, #tpu.memory_space<hbm>> -> memref<336x128xf32, #tpu.memory_space<hbm>>
      tpu.wait_dma2 semaphore(%run_scoped3A : memref<!tpu.dma_semaphore, #tpu.memory_space<semaphore_mem>>) src(%dma_wait3A_44 : memref<336x128xf32, #tpu.memory_space<hbm>>) dst(%dma_wait3A_42 : memref<336x128xf32, #tpu.memory_space<vmem_shared>>)
      tpu.yield
    }) : () -> ()
    %barrier3A = arith.constant 0 : index
    tpu.barrier barrier_id(%barrier3A)
    %dma_start3A = arith.constant 0 : i32
    %dma_start3A_1 = arith.constant 0 : i32
    %dma_start3A_2 = tpu.memref_slice %arg7[%dma_start3A, %dma_start3A_1] : memref<250x80xi32, #tpu.memory_space<vmem>> -> memref<1x80xi32, #tpu.memory_space<vmem>>
    %dma_start3A_3 = tpu.memref_squeeze %dma_start3A_2 : memref<1x80xi32, #tpu.memory_space<vmem>> -> memref<80xi32, #tpu.memory_space<vmem>>
    %dma_start3A_4 = arith.constant 0 : i32
    %dma_start3A_5 = arith.constant 0 : i32
    %dma_start3A_6 = tpu.memref_slice %arg2[%dma_start3A_4, %dma_start3A_5] : memref<10240x128xf32, #tpu.memory_space<hbm>> -> memref<10240x128xf32, #tpu.memory_space<hbm>>
    tpu.enqueue_indirect_dma source(%dma_start3A_6 : memref<10240x128xf32, #tpu.memory_space<hbm>>) target(%arg9 : memref<80x128xf32, #tpu.memory_space<vmem>>) offsets(%dma_start3A_3 : memref<80xi32, #tpu.memory_space<vmem>>) semaphore(%arg12 : memref<!tpu.dma_semaphore, #tpu.memory_space<semaphore_mem>>)
    %dma_start3A_7 = arith.constant 1 : i32
    %dma_start3A_8 = arith.constant 0 : i32
    %dma_start3A_9 = tpu.memref_slice %arg7[%dma_start3A_7, %dma_start3A_8] : memref<250x80xi32, #tpu.memory_space<vmem>> -> memref<1x80xi32, #tpu.memory_space<vmem>>
    %dma_start3A_10 = tpu.memref_squeeze %dma_start3A_9 : memref<1x80xi32, #tpu.memory_space<vmem>> -> memref<80xi32, #tpu.memory_space<vmem>>
    %dma_start3A_11 = arith.constant 0 : i32
    %dma_start3A_12 = arith.constant 0 : i32
    %dma_start3A_13 = tpu.memref_slice %arg2[%dma_start3A_11, %dma_start3A_12] : memref<10240x128xf32, #tpu.memory_space<hbm>> -> memref<10240x128xf32, #tpu.memory_space<hbm>>
    tpu.enqueue_indirect_dma source(%dma_start3A_13 : memref<10240x128xf32, #tpu.memory_space<hbm>>) target(%arg10 : memref<80x128xf32, #tpu.memory_space<vmem>>) offsets(%dma_start3A_10 : memref<80xi32, #tpu.memory_space<vmem>>) semaphore(%arg13 : memref<!tpu.dma_semaphore, #tpu.memory_space<semaphore_mem>>)
    %scan3A = arith.constant 0 : i32
    %scan3A_14 = arith.constant 0 : i32
    %scan3A_15 = arith.constant 124 : i32
    %scan3A_16 = arith.addi %scan3A_14, %scan3A_15 : i32
    %scan3A_17 = arith.constant 1 : i32
    scf.for %scan3A_37 = %scan3A_14 to %scan3A_16 step %scan3A_17  : i32 {
      %mul3A_38 = arith.constant 2 : i32
      %mul3A_39 = arith.muli %mul3A_38, %scan3A_37 : i32
      %dma_wait3A_40 = arith.constant 0 : i32
      %dma_wait3A_41 = tpu.memref_slice %arg7[%mul3A_39, %dma_wait3A_40] : memref<250x80xi32, #tpu.memory_space<vmem>> -> memref<1x80xi32, #tpu.memory_space<vmem>>
      %dma_wait3A_42 = tpu.memref_squeeze %dma_wait3A_41 : memref<1x80xi32, #tpu.memory_space<vmem>> -> memref<80xi32, #tpu.memory_space<vmem>>
      %dma_wait3A_43 = arith.constant 0 : i32
      %dma_wait3A_44 = arith.constant 0 : i32
      %dma_wait3A_45 = tpu.memref_slice %arg2[%dma_wait3A_43, %dma_wait3A_44] : memref<10240x128xf32, #tpu.memory_space<hbm>> -> memref<10240x128xf32, #tpu.memory_space<hbm>>
      tpu.wait_indirect_dma semaphore(%arg12 : memref<!tpu.dma_semaphore, #tpu.memory_space<semaphore_mem>>) src(%dma_wait3A_45 : memref<10240x128xf32, #tpu.memory_space<hbm>>) dst(%arg9 : memref<80x128xf32, #tpu.memory_space<vmem>>)
      %mul3A_46 = arith.constant 80 : i32
      %mul3A_47 = arith.muli %mul3A_39, %mul3A_46 : i32
      "tpu.region"() ({
        %run_scoped3A = tpu.sem_alloc : memref<!tpu.dma_semaphore, #tpu.memory_space<semaphore_mem>>
        %dma_start3A_76 = tpu.memref_slice %arg8[%mul3A_47] : memref<20000xi32, #tpu.memory_space<vmem>> -> memref<80xi32, #tpu.memory_space<vmem>>
        %dma_start3A_77 = arith.constant 0 : i32
        %dma_start3A_78 = arith.constant 0 : i32
        %dma_start3A_79 = tpu.memref_slice %arg11[%dma_start3A_77, %dma_start3A_78] : memref<5376x128xf32, #tpu.memory_space<vmem_shared>> -> memref<5376x128xf32, #tpu.memory_space<vmem_shared>>
        tpu.enqueue_indirect_dma source(%arg9 : memref<80x128xf32, #tpu.memory_space<vmem>>) target(%dma_start3A_79 : memref<5376x128xf32, #tpu.memory_space<vmem_shared>>) offsets(%dma_start3A_76 : memref<80xi32, #tpu.memory_space<vmem>>) semaphore(%run_scoped3A : memref<!tpu.dma_semaphore, #tpu.memory_space<semaphore_mem>>) {add = true}
        %dma_wait3A_80 = tpu.memref_slice %arg8[%mul3A_47] : memref<20000xi32, #tpu.memory_space<vmem>> -> memref<80xi32, #tpu.memory_space<vmem>>
        %dma_wait3A_81 = arith.constant 0 : i32
        %dma_wait3A_82 = arith.constant 0 : i32
        %dma_wait3A_83 = tpu.memref_slice %arg11[%dma_wait3A_81, %dma_wait3A_82] : memref<5376x128xf32, #tpu.memory_space<vmem_shared>> -> memref<5376x128xf32, #tpu.memory_space<vmem_shared>>
        tpu.wait_indirect_dma semaphore(%run_scoped3A : memref<!tpu.dma_semaphore, #tpu.memory_space<semaphore_mem>>) src(%arg9 : memref<80x128xf32, #tpu.memory_space<vmem>>) dst(%dma_wait3A_83 : memref<5376x128xf32, #tpu.memory_space<vmem_shared>>)
        tpu.yield
      }) : () -> ()
      %add3A_48 = arith.constant 2 : i32
      %add3A_49 = arith.addi %mul3A_39, %add3A_48 : i32
      %dma_start3A_50 = arith.constant 0 : i32
      %dma_start3A_51 = tpu.memref_slice %arg7[%add3A_49, %dma_start3A_50] : memref<250x80xi32, #tpu.memory_space<vmem>> -> memref<1x80xi32, #tpu.memory_space<vmem>>
      %dma_start3A_52 = tpu.memref_squeeze %dma_start3A_51 : memref<1x80xi32, #tpu.memory_space<vmem>> -> memref<80xi32, #tpu.memory_space<vmem>>
      %dma_start3A_53 = arith.constant 0 : i32
      %dma_start3A_54 = arith.constant 0 : i32
      %dma_start3A_55 = tpu.memref_slice %arg2[%dma_start3A_53, %dma_start3A_54] : memref<10240x128xf32, #tpu.memory_space<hbm>> -> memref<10240x128xf32, #tpu.memory_space<hbm>>
      tpu.enqueue_indirect_dma source(%dma_start3A_55 : memref<10240x128xf32, #tpu.memory_space<hbm>>) target(%arg9 : memref<80x128xf32, #tpu.memory_space<vmem>>) offsets(%dma_start3A_52 : memref<80xi32, #tpu.memory_space<vmem>>) semaphore(%arg12 : memref<!tpu.dma_semaphore, #tpu.memory_space<semaphore_mem>>)
      %add3A_56 = arith.constant 1 : i32
      %add3A_57 = arith.addi %mul3A_39, %add3A_56 : i32
      %dma_wait3A_58 = arith.constant 0 : i32
      %dma_wait3A_59 = tpu.memref_slice %arg7[%add3A_57, %dma_wait3A_58] : memref<250x80xi32, #tpu.memory_space<vmem>> -> memref<1x80xi32, #tpu.memory_space<vmem>>
      %dma_wait3A_60 = tpu.memref_squeeze %dma_wait3A_59 : memref<1x80xi32, #tpu.memory_space<vmem>> -> memref<80xi32, #tpu.memory_space<vmem>>
      %dma_wait3A_61 = arith.constant 0 : i32
      %dma_wait3A_62 = arith.constant 0 : i32
      %dma_wait3A_63 = tpu.memref_slice %arg2[%dma_wait3A_61, %dma_wait3A_62] : memref<10240x128xf32, #tpu.memory_space<hbm>> -> memref<10240x128xf32, #tpu.memory_space<hbm>>
      tpu.wait_indirect_dma semaphore(%arg13 : memref<!tpu.dma_semaphore, #tpu.memory_space<semaphore_mem>>) src(%dma_wait3A_63 : memref<10240x128xf32, #tpu.memory_space<hbm>>) dst(%arg10 : memref<80x128xf32, #tpu.memory_space<vmem>>)
      %add3A_64 = arith.constant 1 : i32
      %add3A_65 = arith.addi %mul3A_39, %add3A_64 : i32
      %mul3A_66 = arith.constant 80 : i32
      %mul3A_67 = arith.muli %add3A_65, %mul3A_66 : i32
      "tpu.region"() ({
        %run_scoped3A = tpu.sem_alloc : memref<!tpu.dma_semaphore, #tpu.memory_space<semaphore_mem>>
        %dma_start3A_76 = tpu.memref_slice %arg8[%mul3A_67] : memref<20000xi32, #tpu.memory_space<vmem>> -> memref<80xi32, #tpu.memory_space<vmem>>
        %dma_start3A_77 = arith.constant 0 : i32
        %dma_start3A_78 = arith.constant 0 : i32
        %dma_start3A_79 = tpu.memref_slice %arg11[%dma_start3A_77, %dma_start3A_78] : memref<5376x128xf32, #tpu.memory_space<vmem_shared>> -> memref<5376x128xf32, #tpu.memory_space<vmem_shared>>
        tpu.enqueue_indirect_dma source(%arg10 : memref<80x128xf32, #tpu.memory_space<vmem>>) target(%dma_start3A_79 : memref<5376x128xf32, #tpu.memory_space<vmem_shared>>) offsets(%dma_start3A_76 : memref<80xi32, #tpu.memory_space<vmem>>) semaphore(%run_scoped3A : memref<!tpu.dma_semaphore, #tpu.memory_space<semaphore_mem>>) {add = true}
        %dma_wait3A_80 = tpu.memref_slice %arg8[%mul3A_67] : memref<20000xi32, #tpu.memory_space<vmem>> -> memref<80xi32, #tpu.memory_space<vmem>>
        %dma_wait3A_81 = arith.constant 0 : i32
        %dma_wait3A_82 = arith.constant 0 : i32
        %dma_wait3A_83 = tpu.memref_slice %arg11[%dma_wait3A_81, %dma_wait3A_82] : memref<5376x128xf32, #tpu.memory_space<vmem_shared>> -> memref<5376x128xf32, #tpu.memory_space<vmem_shared>>
        tpu.wait_indirect_dma semaphore(%run_scoped3A : memref<!tpu.dma_semaphore, #tpu.memory_space<semaphore_mem>>) src(%arg10 : memref<80x128xf32, #tpu.memory_space<vmem>>) dst(%dma_wait3A_83 : memref<5376x128xf32, #tpu.memory_space<vmem_shared>>)
        tpu.yield
      }) : () -> ()
      %add3A_68 = arith.constant 3 : i32
      %add3A_69 = arith.addi %mul3A_39, %add3A_68 : i32
      %dma_start3A_70 = arith.constant 0 : i32
      %dma_start3A_71 = tpu.memref_slice %arg7[%add3A_69, %dma_start3A_70] : memref<250x80xi32, #tpu.memory_space<vmem>> -> memref<1x80xi32, #tpu.memory_space<vmem>>
      %dma_start3A_72 = tpu.memref_squeeze %dma_start3A_71 : memref<1x80xi32, #tpu.memory_space<vmem>> -> memref<80xi32, #tpu.memory_space<vmem>>
      %dma_start3A_73 = arith.constant 0 : i32
      %dma_start3A_74 = arith.constant 0 : i32
      %dma_start3A_75 = tpu.memref_slice %arg2[%dma_start3A_73, %dma_start3A_74] : memref<10240x128xf32, #tpu.memory_space<hbm>> -> memref<10240x128xf32, #tpu.memory_space<hbm>>
      tpu.enqueue_indirect_dma source(%dma_start3A_75 : memref<10240x128xf32, #tpu.memory_space<hbm>>) target(%arg10 : memref<80x128xf32, #tpu.memory_space<vmem>>) offsets(%dma_start3A_72 : memref<80xi32, #tpu.memory_space<vmem>>) semaphore(%arg13 : memref<!tpu.dma_semaphore, #tpu.memory_space<semaphore_mem>>)
    }
    %scan3A_18 = arith.constant 124 : i32
    %dma_wait3A = arith.constant 248 : i32
    %dma_wait3A_19 = arith.constant 0 : i32
    %dma_wait3A_20 = tpu.memref_slice %arg7[%dma_wait3A, %dma_wait3A_19] : memref<250x80xi32, #tpu.memory_space<vmem>> -> memref<1x80xi32, #tpu.memory_space<vmem>>
    %dma_wait3A_21 = tpu.memref_squeeze %dma_wait3A_20 : memref<1x80xi32, #tpu.memory_space<vmem>> -> memref<80xi32, #tpu.memory_space<vmem>>
    %dma_wait3A_22 = arith.constant 0 : i32
    %dma_wait3A_23 = arith.constant 0 : i32
    %dma_wait3A_24 = tpu.memref_slice %arg2[%dma_wait3A_22, %dma_wait3A_23] : memref<10240x128xf32, #tpu.memory_space<hbm>> -> memref<10240x128xf32, #tpu.memory_space<hbm>>
    tpu.wait_indirect_dma semaphore(%arg12 : memref<!tpu.dma_semaphore, #tpu.memory_space<semaphore_mem>>) src(%dma_wait3A_24 : memref<10240x128xf32, #tpu.memory_space<hbm>>) dst(%arg9 : memref<80x128xf32, #tpu.memory_space<vmem>>)
    "tpu.region"() ({
      %run_scoped3A = tpu.sem_alloc : memref<!tpu.dma_semaphore, #tpu.memory_space<semaphore_mem>>
      %dma_start3A_37 = arith.constant 19840 : i32
      %dma_start3A_38 = tpu.memref_slice %arg8[%dma_start3A_37] : memref<20000xi32, #tpu.memory_space<vmem>> -> memref<80xi32, #tpu.memory_space<vmem>>
      %dma_start3A_39 = arith.constant 0 : i32
      %dma_start3A_40 = arith.constant 0 : i32
      %dma_start3A_41 = tpu.memref_slice %arg11[%dma_start3A_39, %dma_start3A_40] : memref<5376x128xf32, #tpu.memory_space<vmem_shared>> -> memref<5376x128xf32, #tpu.memory_space<vmem_shared>>
      tpu.enqueue_indirect_dma source(%arg9 : memref<80x128xf32, #tpu.memory_space<vmem>>) target(%dma_start3A_41 : memref<5376x128xf32, #tpu.memory_space<vmem_shared>>) offsets(%dma_start3A_38 : memref<80xi32, #tpu.memory_space<vmem>>) semaphore(%run_scoped3A : memref<!tpu.dma_semaphore, #tpu.memory_space<semaphore_mem>>) {add = true}
      %dma_wait3A_42 = arith.constant 19840 : i32
      %dma_wait3A_43 = tpu.memref_slice %arg8[%dma_wait3A_42] : memref<20000xi32, #tpu.memory_space<vmem>> -> memref<80xi32, #tpu.memory_space<vmem>>
      %dma_wait3A_44 = arith.constant 0 : i32
      %dma_wait3A_45 = arith.constant 0 : i32
      %dma_wait3A_46 = tpu.memref_slice %arg11[%dma_wait3A_44, %dma_wait3A_45] : memref<5376x128xf32, #tpu.memory_space<vmem_shared>> -> memref<5376x128xf32, #tpu.memory_space<vmem_shared>>
      tpu.wait_indirect_dma semaphore(%run_scoped3A : memref<!tpu.dma_semaphore, #tpu.memory_space<semaphore_mem>>) src(%arg9 : memref<80x128xf32, #tpu.memory_space<vmem>>) dst(%dma_wait3A_46 : memref<5376x128xf32, #tpu.memory_space<vmem_shared>>)
      tpu.yield
    }) : () -> ()
    %dma_wait3A_25 = arith.constant 249 : i32
    %dma_wait3A_26 = arith.constant 0 : i32
    %dma_wait3A_27 = tpu.memref_slice %arg7[%dma_wait3A_25, %dma_wait3A_26] : memref<250x80xi32, #tpu.memory_space<vmem>> -> memref<1x80xi32, #tpu.memory_space<vmem>>
    %dma_wait3A_28 = tpu.memref_squeeze %dma_wait3A_27 : memref<1x80xi32, #tpu.memory_space<vmem>> -> memref<80xi32, #tpu.memory_space<vmem>>
    %dma_wait3A_29 = arith.constant 0 : i32
    %dma_wait3A_30 = arith.constant 0 : i32
    %dma_wait3A_31 = tpu.memref_slice %arg2[%dma_wait3A_29, %dma_wait3A_30] : memref<10240x128xf32, #tpu.memory_space<hbm>> -> memref<10240x128xf32, #tpu.memory_space<hbm>>
    tpu.wait_indirect_dma semaphore(%arg13 : memref<!tpu.dma_semaphore, #tpu.memory_space<semaphore_mem>>) src(%dma_wait3A_31 : memref<10240x128xf32, #tpu.memory_space<hbm>>) dst(%arg10 : memref<80x128xf32, #tpu.memory_space<vmem>>)
    "tpu.region"() ({
      %run_scoped3A = tpu.sem_alloc : memref<!tpu.dma_semaphore, #tpu.memory_space<semaphore_mem>>
      %dma_start3A_37 = arith.constant 19920 : i32
      %dma_start3A_38 = tpu.memref_slice %arg8[%dma_start3A_37] : memref<20000xi32, #tpu.memory_space<vmem>> -> memref<80xi32, #tpu.memory_space<vmem>>
      %dma_start3A_39 = arith.constant 0 : i32
      %dma_start3A_40 = arith.constant 0 : i32
      %dma_start3A_41 = tpu.memref_slice %arg11[%dma_start3A_39, %dma_start3A_40] : memref<5376x128xf32, #tpu.memory_space<vmem_shared>> -> memref<5376x128xf32, #tpu.memory_space<vmem_shared>>
      tpu.enqueue_indirect_dma source(%arg10 : memref<80x128xf32, #tpu.memory_space<vmem>>) target(%dma_start3A_41 : memref<5376x128xf32, #tpu.memory_space<vmem_shared>>) offsets(%dma_start3A_38 : memref<80xi32, #tpu.memory_space<vmem>>) semaphore(%run_scoped3A : memref<!tpu.dma_semaphore, #tpu.memory_space<semaphore_mem>>) {add = true}
      %dma_wait3A_42 = arith.constant 19920 : i32
      %dma_wait3A_43 = tpu.memref_slice %arg8[%dma_wait3A_42] : memref<20000xi32, #tpu.memory_space<vmem>> -> memref<80xi32, #tpu.memory_space<vmem>>
      %dma_wait3A_44 = arith.constant 0 : i32
      %dma_wait3A_45 = arith.constant 0 : i32
      %dma_wait3A_46 = tpu.memref_slice %arg11[%dma_wait3A_44, %dma_wait3A_45] : memref<5376x128xf32, #tpu.memory_space<vmem_shared>> -> memref<5376x128xf32, #tpu.memory_space<vmem_shared>>
      tpu.wait_indirect_dma semaphore(%run_scoped3A : memref<!tpu.dma_semaphore, #tpu.memory_space<semaphore_mem>>) src(%arg10 : memref<80x128xf32, #tpu.memory_space<vmem>>) dst(%dma_wait3A_46 : memref<5376x128xf32, #tpu.memory_space<vmem_shared>>)
      tpu.yield
    }) : () -> ()
    %barrier3A_32 = arith.constant 0 : index
    tpu.barrier barrier_id(%barrier3A_32)
    %mul3A_33 = arith.constant 320 : i32
    %mul3A_34 = arith.muli %arg1, %mul3A_33 : i32
    %mul3A_35 = arith.constant 5120 : i32
    %mul3A_36 = arith.muli %arg0, %mul3A_35 : i32
    %add3A = arith.addi %mul3A_36, %mul3A_34 : i32
    "tpu.region"() ({
      %run_scoped3A = tpu.sem_alloc : memref<!tpu.dma_semaphore, #tpu.memory_space<semaphore_mem>>
      %dma_start3A_37 = arith.constant 0 : i32
      %dma_start3A_38 = tpu.memref_slice %arg6[%add3A, %dma_start3A_37] : memref<10240x128xf32, #tpu.memory_space<hbm>> -> memref<320x128xf32, #tpu.memory_space<hbm>>
      %dma_start3A_39 = arith.constant 0 : i32
      %dma_start3A_40 = tpu.memref_slice %arg11[%mul3A_34, %dma_start3A_39] : memref<5376x128xf32, #tpu.memory_space<vmem_shared>> -> memref<320x128xf32, #tpu.memory_space<vmem_shared>>
      tpu.enqueue_dma source(%dma_start3A_40 : memref<320x128xf32, #tpu.memory_space<vmem_shared>>) target(%dma_start3A_38 : memref<320x128xf32, #tpu.memory_space<hbm>>) target_semaphore(%run_scoped3A : memref<!tpu.dma_semaphore, #tpu.memory_space<semaphore_mem>>)
      %dma_wait3A_41 = arith.constant 0 : i32
      %dma_wait3A_42 = tpu.memref_slice %arg6[%add3A, %dma_wait3A_41] : memref<10240x128xf32, #tpu.memory_space<hbm>> -> memref<320x128xf32, #tpu.memory_space<hbm>>
      %dma_wait3A_43 = arith.constant 0 : i32
      %dma_wait3A_44 = tpu.memref_slice %arg11[%mul3A_34, %dma_wait3A_43] : memref<5376x128xf32, #tpu.memory_space<vmem_shared>> -> memref<320x128xf32, #tpu.memory_space<vmem_shared>>
      tpu.wait_dma2 semaphore(%run_scoped3A : memref<!tpu.dma_semaphore, #tpu.memory_space<semaphore_mem>>) src(%dma_wait3A_44 : memref<320x128xf32, #tpu.memory_space<vmem_shared>>) dst(%dma_wait3A_42 : memref<320x128xf32, #tpu.memory_space<hbm>>)
      tpu.yield
    }) : () -> ()
    return
  }
}

#map = affine_map<(d0, d1) -> (0, 0)>
#map1 = affine_map<(d0, d1) -> (0, 0, 0)>
module attributes {stable_mosaic.version = 14 : i64} {
  func.func @body(%arg0: i32, %arg1: i32, %arg2: memref<10240x128xf32, #tpu.memory_space<hbm>>, %arg3: memref<16x250x80xi32, #tpu.memory_space<hbm>>, %arg4: memref<2x16x20000xi32, #tpu.memory_space<hbm>>, %arg5: memref<5376x128xf32, #tpu.memory_space<hbm>>, %arg6: memref<10240x128xf32, #tpu.memory_space<hbm>>, %arg7: memref<250x80xi32, #tpu.memory_space<vmem>>, %arg8: memref<20000xi32, #tpu.memory_space<vmem>>, %arg9: memref<80x128xf32, #tpu.memory_space<vmem>>, %arg10: memref<80x128xf32, #tpu.memory_space<vmem>>, %arg11: memref<5376x128xf32, #tpu.memory_space<vmem_shared>>, %arg12: memref<!tpu.dma_semaphore, #tpu.memory_space<semaphore_mem>>, %arg13: memref<!tpu.dma_semaphore, #tpu.memory_space<semaphore_mem>>) attributes {dimension_semantics = [#tpu.dimension_semantics<core_parallel>, #tpu.dimension_semantics<subcore_parallel>], iteration_bounds = array<i64: 2, 16>, scalar_prefetch = 0 : i64, scratch_operands = 7 : i64, tpu.core_type = #tpu.core_type<sc_vector_subcore>, window_params = [{transform_indices = #map}, {transform_indices = #map1}, {transform_indices = #map1}, {transform_indices = #map}, {transform_indices = #map}]} {
    "tpu.region"() ({
      %run_scoped3A = tpu.sem_alloc : memref<!tpu.dma_semaphore, #tpu.memory_space<semaphore_mem>>
      %dma_start3A_37 = arith.constant 0 : i32
      %dma_start3A_38 = arith.constant 0 : i32
      %dma_start3A_39 = tpu.memref_slice %arg3[%arg1, %dma_start3A_37, %dma_start3A_38] : memref<16x250x80xi32, #tpu.memory_space<hbm>> -> memref<1x250x80xi32, #tpu.memory_space<hbm>>
      %dma_start3A_40 = tpu.memref_squeeze %dma_start3A_39 : memref<1x250x80xi32, #tpu.memory_space<hbm>> -> memref<250x80xi32, #tpu.memory_space<hbm>>
      %dma_start3A_41 = arith.constant 0 : i32
      %dma_start3A_42 = arith.constant 0 : i32
      %dma_start3A_43 = tpu.memref_slice %arg3[%arg1, %dma_start3A_41, %dma_start3A_42] : memref<16x250x80xi32, #tpu.memory_space<hbm>> -> memref<1x250x80xi32, #tpu.memory_space<hbm>>
      %dma_start3A_44 = tpu.memref_squeeze %dma_start3A_43 : memref<1x250x80xi32, #tpu.memory_space<hbm>> -> memref<250x80xi32, #tpu.memory_space<hbm>>
      tpu.enqueue_dma source(%dma_start3A_44 : memref<250x80xi32, #tpu.memory_space<hbm>>) target(%arg7 : memref<250x80xi32, #tpu.memory_space<vmem>>) target_semaphore(%run_scoped3A : memref<!tpu.dma_semaphore, #tpu.memory_space<semaphore_mem>>)
      %dma_wait3A_45 = arith.constant 0 : i32
      %dma_wait3A_46 = arith.constant 0 : i32
      %dma_wait3A_47 = tpu.memref_slice %arg3[%arg1, %dma_wait3A_45, %dma_wait3A_46] : memref<16x250x80xi32, #tpu.memory_space<hbm>> -> memref<1x250x80xi32, #tpu.memory_space<hbm>>
      %dma_wait3A_48 = tpu.memref_squeeze %dma_wait3A_47 : memref<1x250x80xi32, #tpu.memory_space<hbm>> -> memref<250x80xi32, #tpu.memory_space<hbm>>
      %dma_wait3A_49 = arith.constant 0 : i32
      %dma_wait3A_50 = arith.constant 0 : i32
      %dma_wait3A_51 = tpu.memref_slice %arg3[%arg1, %dma_wait3A_49, %dma_wait3A_50] : memref<16x250x80xi32, #tpu.memory_space<hbm>> -> memref<1x250x80xi32, #tpu.memory_space<hbm>>
      %dma_wait3A_52 = tpu.memref_squeeze %dma_wait3A_51 : memref<1x250x80xi32, #tpu.memory_space<hbm>> -> memref<250x80xi32, #tpu.memory_space<hbm>>
      tpu.wait_dma2 semaphore(%run_scoped3A : memref<!tpu.dma_semaphore, #tpu.memory_space<semaphore_mem>>) src(%dma_wait3A_52 : memref<250x80xi32, #tpu.memory_space<hbm>>) dst(%arg7 : memref<250x80xi32, #tpu.memory_space<vmem>>)
      tpu.yield
    }) : () -> ()
    "tpu.region"() ({
      %run_scoped3A = tpu.sem_alloc : memref<!tpu.dma_semaphore, #tpu.memory_space<semaphore_mem>>
      %dma_start3A_37 = arith.constant 0 : i32
      %dma_start3A_38 = tpu.memref_slice %arg4[%arg0, %arg1, %dma_start3A_37] : memref<2x16x20000xi32, #tpu.memory_space<hbm>> -> memref<1x1x20000xi32, #tpu.memory_space<hbm>>
      %dma_start3A_39 = tpu.memref_squeeze %dma_start3A_38 : memref<1x1x20000xi32, #tpu.memory_space<hbm>> -> memref<20000xi32, #tpu.memory_space<hbm>>
      %dma_start3A_40 = arith.constant 0 : i32
      %dma_start3A_41 = tpu.memref_slice %arg4[%arg0, %arg1, %dma_start3A_40] : memref<2x16x20000xi32, #tpu.memory_space<hbm>> -> memref<1x1x20000xi32, #tpu.memory_space<hbm>>
      %dma_start3A_42 = tpu.memref_squeeze %dma_start3A_41 : memref<1x1x20000xi32, #tpu.memory_space<hbm>> -> memref<20000xi32, #tpu.memory_space<hbm>>
      tpu.enqueue_dma source(%dma_start3A_42 : memref<20000xi32, #tpu.memory_space<hbm>>) target(%arg8 : memref<20000xi32, #tpu.memory_space<vmem>>) target_semaphore(%run_scoped3A : memref<!tpu.dma_semaphore, #tpu.memory_space<semaphore_mem>>)
      %dma_wait3A_43 = arith.constant 0 : i32
      %dma_wait3A_44 = tpu.memref_slice %arg4[%arg0, %arg1, %dma_wait3A_43] : memref<2x16x20000xi32, #tpu.memory_space<hbm>> -> memref<1x1x20000xi32, #tpu.memory_space<hbm>>
      %dma_wait3A_45 = tpu.memref_squeeze %dma_wait3A_44 : memref<1x1x20000xi32, #tpu.memory_space<hbm>> -> memref<20000xi32, #tpu.memory_space<hbm>>
      %dma_wait3A_46 = arith.constant 0 : i32
      %dma_wait3A_47 = tpu.memref_slice %arg4[%arg0, %arg1, %dma_wait3A_46] : memref<2x16x20000xi32, #tpu.memory_space<hbm>> -> memref<1x1x20000xi32, #tpu.memory_space<hbm>>
      %dma_wait3A_48 = tpu.memref_squeeze %dma_wait3A_47 : memref<1x1x20000xi32, #tpu.memory_space<hbm>> -> memref<20000xi32, #tpu.memory_space<hbm>>
      tpu.wait_dma2 semaphore(%run_scoped3A : memref<!tpu.dma_semaphore, #tpu.memory_space<semaphore_mem>>) src(%dma_wait3A_48 : memref<20000xi32, #tpu.memory_space<hbm>>) dst(%arg8 : memref<20000xi32, #tpu.memory_space<vmem>>)
      tpu.yield
    }) : () -> ()
    %mul3A = arith.constant 336 : i32
    %mul3A_0 = arith.muli %arg1, %mul3A : i32
    "tpu.region"() ({
      %run_scoped3A = tpu.sem_alloc : memref<!tpu.dma_semaphore, #tpu.memory_space<semaphore_mem>>
      %dma_start3A_37 = arith.constant 0 : i32
      %dma_start3A_38 = tpu.memref_slice %arg11[%mul3A_0, %dma_start3A_37] : memref<5376x128xf32, #tpu.memory_space<vmem_shared>> -> memref<336x128xf32, #tpu.memory_space<vmem_shared>>
      %dma_start3A_39 = arith.constant 0 : i32
      %dma_start3A_40 = tpu.memref_slice %arg5[%mul3A_0, %dma_start3A_39] : memref<5376x128xf32, #tpu.memory_space<hbm>> -> memref<336x128xf32, #tpu.memory_space<hbm>>
      tpu.enqueue_dma source(%dma_start3A_40 : memref<336x128xf32, #tpu.memory_space<hbm>>) target(%dma_start3A_38 : memref<336x128xf32, #tpu.memory_space<vmem_shared>>) target_semaphore(%run_scoped3A : memref<!tpu.dma_semaphore, #tpu.memory_space<semaphore_mem>>)
      %dma_wait3A_41 = arith.constant 0 : i32
      %dma_wait3A_42 = tpu.memref_slice %arg11[%mul3A_0, %dma_wait3A_41] : memref<5376x128xf32, #tpu.memory_space<vmem_shared>> -> memref<336x128xf32, #tpu.memory_space<vmem_shared>>
      %dma_wait3A_43 = arith.constant 0 : i32
      %dma_wait3A_44 = tpu.memref_slice %arg5[%mul3A_0, %dma_wait3A_43] : memref<5376x128xf32, #tpu.memory_space<hbm>> -> memref<336x128xf32, #tpu.memory_space<hbm>>
      tpu.wait_dma2 semaphore(%run_scoped3A : memref<!tpu.dma_semaphore, #tpu.memory_space<semaphore_mem>>) src(%dma_wait3A_44 : memref<336x128xf32, #tpu.memory_space<hbm>>) dst(%dma_wait3A_42 : memref<336x128xf32, #tpu.memory_space<vmem_shared>>)
      tpu.yield
    }) : () -> ()
    %barrier3A = arith.constant 0 : index
    tpu.barrier barrier_id(%barrier3A)
    %dma_start3A = arith.constant 0 : i32
    %dma_start3A_1 = arith.constant 0 : i32
    %dma_start3A_2 = tpu.memref_slice %arg7[%dma_start3A, %dma_start3A_1] : memref<250x80xi32, #tpu.memory_space<vmem>> -> memref<1x80xi32, #tpu.memory_space<vmem>>
    %dma_start3A_3 = tpu.memref_squeeze %dma_start3A_2 : memref<1x80xi32, #tpu.memory_space<vmem>> -> memref<80xi32, #tpu.memory_space<vmem>>
    %dma_start3A_4 = arith.constant 0 : i32
    %dma_start3A_5 = arith.constant 0 : i32
    %dma_start3A_6 = tpu.memref_slice %arg2[%dma_start3A_4, %dma_start3A_5] : memref<10240x128xf32, #tpu.memory_space<hbm>> -> memref<10240x128xf32, #tpu.memory_space<hbm>>
    tpu.enqueue_indirect_dma source(%dma_start3A_6 : memref<10240x128xf32, #tpu.memory_space<hbm>>) target(%arg9 : memref<80x128xf32, #tpu.memory_space<vmem>>) offsets(%dma_start3A_3 : memref<80xi32, #tpu.memory_space<vmem>>) semaphore(%arg12 : memref<!tpu.dma_semaphore, #tpu.memory_space<semaphore_mem>>)
    %dma_start3A_7 = arith.constant 1 : i32
    %dma_start3A_8 = arith.constant 0 : i32
    %dma_start3A_9 = tpu.memref_slice %arg7[%dma_start3A_7, %dma_start3A_8] : memref<250x80xi32, #tpu.memory_space<vmem>> -> memref<1x80xi32, #tpu.memory_space<vmem>>
    %dma_start3A_10 = tpu.memref_squeeze %dma_start3A_9 : memref<1x80xi32, #tpu.memory_space<vmem>> -> memref<80xi32, #tpu.memory_space<vmem>>
    %dma_start3A_11 = arith.constant 0 : i32
    %dma_start3A_12 = arith.constant 0 : i32
    %dma_start3A_13 = tpu.memref_slice %arg2[%dma_start3A_11, %dma_start3A_12] : memref<10240x128xf32, #tpu.memory_space<hbm>> -> memref<10240x128xf32, #tpu.memory_space<hbm>>
    tpu.enqueue_indirect_dma source(%dma_start3A_13 : memref<10240x128xf32, #tpu.memory_space<hbm>>) target(%arg10 : memref<80x128xf32, #tpu.memory_space<vmem>>) offsets(%dma_start3A_10 : memref<80xi32, #tpu.memory_space<vmem>>) semaphore(%arg13 : memref<!tpu.dma_semaphore, #tpu.memory_space<semaphore_mem>>)
    %scan3A = arith.constant 0 : i32
    %scan3A_14 = arith.constant 0 : i32
    %scan3A_15 = arith.constant 124 : i32
    %scan3A_16 = arith.addi %scan3A_14, %scan3A_15 : i32
    %scan3A_17 = arith.constant 1 : i32
    scf.for %scan3A_37 = %scan3A_14 to %scan3A_16 step %scan3A_17  : i32 {
      %mul3A_38 = arith.constant 2 : i32
      %mul3A_39 = arith.muli %mul3A_38, %scan3A_37 : i32
      %dma_wait3A_40 = arith.constant 0 : i32
      %dma_wait3A_41 = tpu.memref_slice %arg7[%mul3A_39, %dma_wait3A_40] : memref<250x80xi32, #tpu.memory_space<vmem>> -> memref<1x80xi32, #tpu.memory_space<vmem>>
      %dma_wait3A_42 = tpu.memref_squeeze %dma_wait3A_41 : memref<1x80xi32, #tpu.memory_space<vmem>> -> memref<80xi32, #tpu.memory_space<vmem>>
      %dma_wait3A_43 = arith.constant 0 : i32
      %dma_wait3A_44 = arith.constant 0 : i32
      %dma_wait3A_45 = tpu.memref_slice %arg2[%dma_wait3A_43, %dma_wait3A_44] : memref<10240x128xf32, #tpu.memory_space<hbm>> -> memref<10240x128xf32, #tpu.memory_space<hbm>>
      tpu.wait_indirect_dma semaphore(%arg12 : memref<!tpu.dma_semaphore, #tpu.memory_space<semaphore_mem>>) src(%dma_wait3A_45 : memref<10240x128xf32, #tpu.memory_space<hbm>>) dst(%arg9 : memref<80x128xf32, #tpu.memory_space<vmem>>)
      %mul3A_46 = arith.constant 80 : i32
      %mul3A_47 = arith.muli %mul3A_39, %mul3A_46 : i32
      "tpu.region"() ({
        %run_scoped3A = tpu.sem_alloc : memref<!tpu.dma_semaphore, #tpu.memory_space<semaphore_mem>>
        %dma_start3A_76 = tpu.memref_slice %arg8[%mul3A_47] : memref<20000xi32, #tpu.memory_space<vmem>> -> memref<80xi32, #tpu.memory_space<vmem>>
        %dma_start3A_77 = arith.constant 0 : i32
        %dma_start3A_78 = arith.constant 0 : i32
        %dma_start3A_79 = tpu.memref_slice %arg11[%dma_start3A_77, %dma_start3A_78] : memref<5376x128xf32, #tpu.memory_space<vmem_shared>> -> memref<5376x128xf32, #tpu.memory_space<vmem_shared>>
        tpu.enqueue_indirect_dma source(%arg9 : memref<80x128xf32, #tpu.memory_space<vmem>>) target(%dma_start3A_79 : memref<5376x128xf32, #tpu.memory_space<vmem_shared>>) offsets(%dma_start3A_76 : memref<80xi32, #tpu.memory_space<vmem>>) semaphore(%run_scoped3A : memref<!tpu.dma_semaphore, #tpu.memory_space<semaphore_mem>>) {add = true}
        %dma_wait3A_80 = tpu.memref_slice %arg8[%mul3A_47] : memref<20000xi32, #tpu.memory_space<vmem>> -> memref<80xi32, #tpu.memory_space<vmem>>
        %dma_wait3A_81 = arith.constant 0 : i32
        %dma_wait3A_82 = arith.constant 0 : i32
        %dma_wait3A_83 = tpu.memref_slice %arg11[%dma_wait3A_81, %dma_wait3A_82] : memref<5376x128xf32, #tpu.memory_space<vmem_shared>> -> memref<5376x128xf32, #tpu.memory_space<vmem_shared>>
        tpu.wait_indirect_dma semaphore(%run_scoped3A : memref<!tpu.dma_semaphore, #tpu.memory_space<semaphore_mem>>) src(%arg9 : memref<80x128xf32, #tpu.memory_space<vmem>>) dst(%dma_wait3A_83 : memref<5376x128xf32, #tpu.memory_space<vmem_shared>>)
        tpu.yield
      }) : () -> ()
      %add3A_48 = arith.constant 2 : i32
      %add3A_49 = arith.addi %mul3A_39, %add3A_48 : i32
      %dma_start3A_50 = arith.constant 0 : i32
      %dma_start3A_51 = tpu.memref_slice %arg7[%add3A_49, %dma_start3A_50] : memref<250x80xi32, #tpu.memory_space<vmem>> -> memref<1x80xi32, #tpu.memory_space<vmem>>
      %dma_start3A_52 = tpu.memref_squeeze %dma_start3A_51 : memref<1x80xi32, #tpu.memory_space<vmem>> -> memref<80xi32, #tpu.memory_space<vmem>>
      %dma_start3A_53 = arith.constant 0 : i32
      %dma_start3A_54 = arith.constant 0 : i32
      %dma_start3A_55 = tpu.memref_slice %arg2[%dma_start3A_53, %dma_start3A_54] : memref<10240x128xf32, #tpu.memory_space<hbm>> -> memref<10240x128xf32, #tpu.memory_space<hbm>>
      tpu.enqueue_indirect_dma source(%dma_start3A_55 : memref<10240x128xf32, #tpu.memory_space<hbm>>) target(%arg9 : memref<80x128xf32, #tpu.memory_space<vmem>>) offsets(%dma_start3A_52 : memref<80xi32, #tpu.memory_space<vmem>>) semaphore(%arg12 : memref<!tpu.dma_semaphore, #tpu.memory_space<semaphore_mem>>)
      %add3A_56 = arith.constant 1 : i32
      %add3A_57 = arith.addi %mul3A_39, %add3A_56 : i32
      %dma_wait3A_58 = arith.constant 0 : i32
      %dma_wait3A_59 = tpu.memref_slice %arg7[%add3A_57, %dma_wait3A_58] : memref<250x80xi32, #tpu.memory_space<vmem>> -> memref<1x80xi32, #tpu.memory_space<vmem>>
      %dma_wait3A_60 = tpu.memref_squeeze %dma_wait3A_59 : memref<1x80xi32, #tpu.memory_space<vmem>> -> memref<80xi32, #tpu.memory_space<vmem>>
      %dma_wait3A_61 = arith.constant 0 : i32
      %dma_wait3A_62 = arith.constant 0 : i32
      %dma_wait3A_63 = tpu.memref_slice %arg2[%dma_wait3A_61, %dma_wait3A_62] : memref<10240x128xf32, #tpu.memory_space<hbm>> -> memref<10240x128xf32, #tpu.memory_space<hbm>>
      tpu.wait_indirect_dma semaphore(%arg13 : memref<!tpu.dma_semaphore, #tpu.memory_space<semaphore_mem>>) src(%dma_wait3A_63 : memref<10240x128xf32, #tpu.memory_space<hbm>>) dst(%arg10 : memref<80x128xf32, #tpu.memory_space<vmem>>)
      %add3A_64 = arith.constant 1 : i32
      %add3A_65 = arith.addi %mul3A_39, %add3A_64 : i32
      %mul3A_66 = arith.constant 80 : i32
      %mul3A_67 = arith.muli %add3A_65, %mul3A_66 : i32
      "tpu.region"() ({
        %run_scoped3A = tpu.sem_alloc : memref<!tpu.dma_semaphore, #tpu.memory_space<semaphore_mem>>
        %dma_start3A_76 = tpu.memref_slice %arg8[%mul3A_67] : memref<20000xi32, #tpu.memory_space<vmem>> -> memref<80xi32, #tpu.memory_space<vmem>>
        %dma_start3A_77 = arith.constant 0 : i32
        %dma_start3A_78 = arith.constant 0 : i32
        %dma_start3A_79 = tpu.memref_slice %arg11[%dma_start3A_77, %dma_start3A_78] : memref<5376x128xf32, #tpu.memory_space<vmem_shared>> -> memref<5376x128xf32, #tpu.memory_space<vmem_shared>>
        tpu.enqueue_indirect_dma source(%arg10 : memref<80x128xf32, #tpu.memory_space<vmem>>) target(%dma_start3A_79 : memref<5376x128xf32, #tpu.memory_space<vmem_shared>>) offsets(%dma_start3A_76 : memref<80xi32, #tpu.memory_space<vmem>>) semaphore(%run_scoped3A : memref<!tpu.dma_semaphore, #tpu.memory_space<semaphore_mem>>) {add = true}
        %dma_wait3A_80 = tpu.memref_slice %arg8[%mul3A_67] : memref<20000xi32, #tpu.memory_space<vmem>> -> memref<80xi32, #tpu.memory_space<vmem>>
        %dma_wait3A_81 = arith.constant 0 : i32
        %dma_wait3A_82 = arith.constant 0 : i32
        %dma_wait3A_83 = tpu.memref_slice %arg11[%dma_wait3A_81, %dma_wait3A_82] : memref<5376x128xf32, #tpu.memory_space<vmem_shared>> -> memref<5376x128xf32, #tpu.memory_space<vmem_shared>>
        tpu.wait_indirect_dma semaphore(%run_scoped3A : memref<!tpu.dma_semaphore, #tpu.memory_space<semaphore_mem>>) src(%arg10 : memref<80x128xf32, #tpu.memory_space<vmem>>) dst(%dma_wait3A_83 : memref<5376x128xf32, #tpu.memory_space<vmem_shared>>)
        tpu.yield
      }) : () -> ()
      %add3A_68 = arith.constant 3 : i32
      %add3A_69 = arith.addi %mul3A_39, %add3A_68 : i32
      %dma_start3A_70 = arith.constant 0 : i32
      %dma_start3A_71 = tpu.memref_slice %arg7[%add3A_69, %dma_start3A_70] : memref<250x80xi32, #tpu.memory_space<vmem>> -> memref<1x80xi32, #tpu.memory_space<vmem>>
      %dma_start3A_72 = tpu.memref_squeeze %dma_start3A_71 : memref<1x80xi32, #tpu.memory_space<vmem>> -> memref<80xi32, #tpu.memory_space<vmem>>
      %dma_start3A_73 = arith.constant 0 : i32
      %dma_start3A_74 = arith.constant 0 : i32
      %dma_start3A_75 = tpu.memref_slice %arg2[%dma_start3A_73, %dma_start3A_74] : memref<10240x128xf32, #tpu.memory_space<hbm>> -> memref<10240x128xf32, #tpu.memory_space<hbm>>
      tpu.enqueue_indirect_dma source(%dma_start3A_75 : memref<10240x128xf32, #tpu.memory_space<hbm>>) target(%arg10 : memref<80x128xf32, #tpu.memory_space<vmem>>) offsets(%dma_start3A_72 : memref<80xi32, #tpu.memory_space<vmem>>) semaphore(%arg13 : memref<!tpu.dma_semaphore, #tpu.memory_space<semaphore_mem>>)
    }
    %scan3A_18 = arith.constant 124 : i32
    %dma_wait3A = arith.constant 248 : i32
    %dma_wait3A_19 = arith.constant 0 : i32
    %dma_wait3A_20 = tpu.memref_slice %arg7[%dma_wait3A, %dma_wait3A_19] : memref<250x80xi32, #tpu.memory_space<vmem>> -> memref<1x80xi32, #tpu.memory_space<vmem>>
    %dma_wait3A_21 = tpu.memref_squeeze %dma_wait3A_20 : memref<1x80xi32, #tpu.memory_space<vmem>> -> memref<80xi32, #tpu.memory_space<vmem>>
    %dma_wait3A_22 = arith.constant 0 : i32
    %dma_wait3A_23 = arith.constant 0 : i32
    %dma_wait3A_24 = tpu.memref_slice %arg2[%dma_wait3A_22, %dma_wait3A_23] : memref<10240x128xf32, #tpu.memory_space<hbm>> -> memref<10240x128xf32, #tpu.memory_space<hbm>>
    tpu.wait_indirect_dma semaphore(%arg12 : memref<!tpu.dma_semaphore, #tpu.memory_space<semaphore_mem>>) src(%dma_wait3A_24 : memref<10240x128xf32, #tpu.memory_space<hbm>>) dst(%arg9 : memref<80x128xf32, #tpu.memory_space<vmem>>)
    "tpu.region"() ({
      %run_scoped3A = tpu.sem_alloc : memref<!tpu.dma_semaphore, #tpu.memory_space<semaphore_mem>>
      %dma_start3A_37 = arith.constant 19840 : i32
      %dma_start3A_38 = tpu.memref_slice %arg8[%dma_start3A_37] : memref<20000xi32, #tpu.memory_space<vmem>> -> memref<80xi32, #tpu.memory_space<vmem>>
      %dma_start3A_39 = arith.constant 0 : i32
      %dma_start3A_40 = arith.constant 0 : i32
      %dma_start3A_41 = tpu.memref_slice %arg11[%dma_start3A_39, %dma_start3A_40] : memref<5376x128xf32, #tpu.memory_space<vmem_shared>> -> memref<5376x128xf32, #tpu.memory_space<vmem_shared>>
      tpu.enqueue_indirect_dma source(%arg9 : memref<80x128xf32, #tpu.memory_space<vmem>>) target(%dma_start3A_41 : memref<5376x128xf32, #tpu.memory_space<vmem_shared>>) offsets(%dma_start3A_38 : memref<80xi32, #tpu.memory_space<vmem>>) semaphore(%run_scoped3A : memref<!tpu.dma_semaphore, #tpu.memory_space<semaphore_mem>>) {add = true}
      %dma_wait3A_42 = arith.constant 19840 : i32
      %dma_wait3A_43 = tpu.memref_slice %arg8[%dma_wait3A_42] : memref<20000xi32, #tpu.memory_space<vmem>> -> memref<80xi32, #tpu.memory_space<vmem>>
      %dma_wait3A_44 = arith.constant 0 : i32
      %dma_wait3A_45 = arith.constant 0 : i32
      %dma_wait3A_46 = tpu.memref_slice %arg11[%dma_wait3A_44, %dma_wait3A_45] : memref<5376x128xf32, #tpu.memory_space<vmem_shared>> -> memref<5376x128xf32, #tpu.memory_space<vmem_shared>>
      tpu.wait_indirect_dma semaphore(%run_scoped3A : memref<!tpu.dma_semaphore, #tpu.memory_space<semaphore_mem>>) src(%arg9 : memref<80x128xf32, #tpu.memory_space<vmem>>) dst(%dma_wait3A_46 : memref<5376x128xf32, #tpu.memory_space<vmem_shared>>)
      tpu.yield
    }) : () -> ()
    %dma_wait3A_25 = arith.constant 249 : i32
    %dma_wait3A_26 = arith.constant 0 : i32
    %dma_wait3A_27 = tpu.memref_slice %arg7[%dma_wait3A_25, %dma_wait3A_26] : memref<250x80xi32, #tpu.memory_space<vmem>> -> memref<1x80xi32, #tpu.memory_space<vmem>>
    %dma_wait3A_28 = tpu.memref_squeeze %dma_wait3A_27 : memref<1x80xi32, #tpu.memory_space<vmem>> -> memref<80xi32, #tpu.memory_space<vmem>>
    %dma_wait3A_29 = arith.constant 0 : i32
    %dma_wait3A_30 = arith.constant 0 : i32
    %dma_wait3A_31 = tpu.memref_slice %arg2[%dma_wait3A_29, %dma_wait3A_30] : memref<10240x128xf32, #tpu.memory_space<hbm>> -> memref<10240x128xf32, #tpu.memory_space<hbm>>
    tpu.wait_indirect_dma semaphore(%arg13 : memref<!tpu.dma_semaphore, #tpu.memory_space<semaphore_mem>>) src(%dma_wait3A_31 : memref<10240x128xf32, #tpu.memory_space<hbm>>) dst(%arg10 : memref<80x128xf32, #tpu.memory_space<vmem>>)
    "tpu.region"() ({
      %run_scoped3A = tpu.sem_alloc : memref<!tpu.dma_semaphore, #tpu.memory_space<semaphore_mem>>
      %dma_start3A_37 = arith.constant 19920 : i32
      %dma_start3A_38 = tpu.memref_slice %arg8[%dma_start3A_37] : memref<20000xi32, #tpu.memory_space<vmem>> -> memref<80xi32, #tpu.memory_space<vmem>>
      %dma_start3A_39 = arith.constant 0 : i32
      %dma_start3A_40 = arith.constant 0 : i32
      %dma_start3A_41 = tpu.memref_slice %arg11[%dma_start3A_39, %dma_start3A_40] : memref<5376x128xf32, #tpu.memory_space<vmem_shared>> -> memref<5376x128xf32, #tpu.memory_space<vmem_shared>>
      tpu.enqueue_indirect_dma source(%arg10 : memref<80x128xf32, #tpu.memory_space<vmem>>) target(%dma_start3A_41 : memref<5376x128xf32, #tpu.memory_space<vmem_shared>>) offsets(%dma_start3A_38 : memref<80xi32, #tpu.memory_space<vmem>>) semaphore(%run_scoped3A : memref<!tpu.dma_semaphore, #tpu.memory_space<semaphore_mem>>) {add = true}
      %dma_wait3A_42 = arith.constant 19920 : i32
      %dma_wait3A_43 = tpu.memref_slice %arg8[%dma_wait3A_42] : memref<20000xi32, #tpu.memory_space<vmem>> -> memref<80xi32, #tpu.memory_space<vmem>>
      %dma_wait3A_44 = arith.constant 0 : i32
      %dma_wait3A_45 = arith.constant 0 : i32
      %dma_wait3A_46 = tpu.memref_slice %arg11[%dma_wait3A_44, %dma_wait3A_45] : memref<5376x128xf32, #tpu.memory_space<vmem_shared>> -> memref<5376x128xf32, #tpu.memory_space<vmem_shared>>
      tpu.wait_indirect_dma semaphore(%run_scoped3A : memref<!tpu.dma_semaphore, #tpu.memory_space<semaphore_mem>>) src(%arg10 : memref<80x128xf32, #tpu.memory_space<vmem>>) dst(%dma_wait3A_46 : memref<5376x128xf32, #tpu.memory_space<vmem_shared>>)
      tpu.yield
    }) : () -> ()
    %barrier3A_32 = arith.constant 0 : index
    tpu.barrier barrier_id(%barrier3A_32)
    %mul3A_33 = arith.constant 320 : i32
    %mul3A_34 = arith.muli %arg1, %mul3A_33 : i32
    %mul3A_35 = arith.constant 5120 : i32
    %mul3A_36 = arith.muli %arg0, %mul3A_35 : i32
    %add3A = arith.addi %mul3A_36, %mul3A_34 : i32
    "tpu.region"() ({
      %run_scoped3A = tpu.sem_alloc : memref<!tpu.dma_semaphore, #tpu.memory_space<semaphore_mem>>
      %dma_start3A_37 = arith.constant 0 : i32
      %dma_start3A_38 = tpu.memref_slice %arg6[%add3A, %dma_start3A_37] : memref<10240x128xf32, #tpu.memory_space<hbm>> -> memref<320x128xf32, #tpu.memory_space<hbm>>
      %dma_start3A_39 = arith.constant 0 : i32
      %dma_start3A_40 = tpu.memref_slice %arg11[%mul3A_34, %dma_start3A_39] : memref<5376x128xf32, #tpu.memory_space<vmem_shared>> -> memref<320x128xf32, #tpu.memory_space<vmem_shared>>
      tpu.enqueue_dma source(%dma_start3A_40 : memref<320x128xf32, #tpu.memory_space<vmem_shared>>) target(%dma_start3A_38 : memref<320x128xf32, #tpu.memory_space<hbm>>) target_semaphore(%run_scoped3A : memref<!tpu.dma_semaphore, #tpu.memory_space<semaphore_mem>>)
      %dma_wait3A_41 = arith.constant 0 : i32
      %dma_wait3A_42 = tpu.memref_slice %arg6[%add3A, %dma_wait3A_41] : memref<10240x128xf32, #tpu.memory_space<hbm>> -> memref<320x128xf32, #tpu.memory_space<hbm>>
      %dma_wait3A_43 = arith.constant 0 : i32
      %dma_wait3A_44 = tpu.memref_slice %arg11[%mul3A_34, %dma_wait3A_43] : memref<5376x128xf32, #tpu.memory_space<vmem_shared>> -> memref<320x128xf32, #tpu.memory_space<vmem_shared>>
      tpu.wait_dma2 semaphore(%run_scoped3A : memref<!tpu.dma_semaphore, #tpu.memory_space<semaphore_mem>>) src(%dma_wait3A_44 : memref<320x128xf32, #tpu.memory_space<vmem_shared>>) dst(%dma_wait3A_42 : memref<320x128xf32, #tpu.memory_space<hbm>>)
      tpu.yield
    }) : () -> ()
    return
  }
}

module attributes {stable_mosaic.version = 14 : i64} {
  func.func @body(%arg0: memref<2500x128xi32, #tpu.memory_space<vmem>>, %arg1: memref<2500x128xi32, #tpu.memory_space<vmem>>, %arg2: memref<2500x128xi32, #tpu.memory_space<vmem>>) attributes {dimension_semantics = [], scalar_prefetch = 0 : i64, scratch_operands = 0 : i64, tpu.core_type = #tpu.core_type<tc>} {
    %get3A = arith.constant 0 : index
    %get3A_0 = arith.constant 0 : index
    %get3A_1 = vector.load %arg0[%get3A, %get3A_0] : memref<2500x128xi32, #tpu.memory_space<vmem>>, vector<2500x128xi32>
    %lt3A = arith.constant 5120 : i32
    %lt3A_2 = vector.broadcast %lt3A : i32 to vector<2500x128xi32>
    %lt3A_3 = arith.cmpi slt, %get3A_1, %lt3A_2 : vector<2500x128xi32>
    %jit3A = arith.constant 5120 : i32
    %broadcast_in_dim3A = vector.broadcast %jit3A : i32 to vector<2500x128xi32>
    %select_n3A = arith.select %lt3A_3, %get3A_1, %broadcast_in_dim3A : vector<2500x128xi1>, vector<2500x128xi32>
    %swap3A = arith.constant 0 : index
    %swap3A_4 = arith.constant 0 : index
    %swap3A_5 = vector.load %arg1[%swap3A, %swap3A_4] : memref<2500x128xi32, #tpu.memory_space<vmem>>, vector<2500x128xi32>
    tpu.vector_store %arg1[%swap3A, %swap3A_4], %select_n3A {strides = array<i32>} : memref<2500x128xi32, #tpu.memory_space<vmem>>, vector<2500x128xi32>,
    %ge3A = arith.constant 5120 : i32
    %ge3A_6 = vector.broadcast %ge3A : i32 to vector<2500x128xi32>
    %ge3A_7 = arith.cmpi sge, %get3A_1, %ge3A_6 : vector<2500x128xi32>
    %sub3A = arith.constant 5120 : i32
    %sub3A_8 = vector.broadcast %sub3A : i32 to vector<2500x128xi32>
    %sub3A_9 = arith.subi %get3A_1, %sub3A_8 : vector<2500x128xi32>
    %jit3A_10 = arith.constant 5120 : i32
    %broadcast_in_dim3A_11 = vector.broadcast %jit3A_10 : i32 to vector<2500x128xi32>
    %select_n3A_12 = arith.select %ge3A_7, %sub3A_9, %broadcast_in_dim3A_11 : vector<2500x128xi1>, vector<2500x128xi32>
    %swap3A_13 = arith.constant 0 : index
    %swap3A_14 = arith.constant 0 : index
    %swap3A_15 = vector.load %arg2[%swap3A_13, %swap3A_14] : memref<2500x128xi32, #tpu.memory_space<vmem>>, vector<2500x128xi32>
    tpu.vector_store %arg2[%swap3A_13, %swap3A_14], %select_n3A_12 {strides = array<i32>} : memref<2500x128xi32, #tpu.memory_space<vmem>>, vector<2500x128xi32>,
    return
  }
}

module attributes {stable_mosaic.version = 14 : i64} {
  func.func @body(%arg0: i32, %arg1: memref<2000x128xf32, #tpu.memory_space<vmem>>, %arg2: memref<64x128xf32, #tpu.memory_space<vmem>>, %arg3: memref<64x128xf32, #tpu.memory_space<vmem>>, %arg4: memref<2000x64xf32, #tpu.memory_space<vmem>>, %arg5: memref<2000x128xf32, #tpu.memory_space<vmem>>) attributes {dimension_semantics = [#tpu.dimension_semantics<arbitrary>], iteration_bounds = array<i64: 5>, scalar_prefetch = 0 : i64, scratch_operands = 0 : i64, tpu.core_type = #tpu.core_type<tc>, window_params = [{transform_indices = @transform_0, window_bounds = array<i64: 2000, 128>}, {pipeline_mode = #tpu.pipeline_mode<synchronous>, transform_indices = @transform_1, window_bounds = array<i64: 64, 128>}, {pipeline_mode = #tpu.pipeline_mode<synchronous>, transform_indices = @transform_2, window_bounds = array<i64: 64, 128>}, {transform_indices = @transform_3, window_bounds = array<i64: 2000, 64>}, {transform_indices = @transform_4, window_bounds = array<i64: 2000, 128>}]} {
    %get3A = arith.constant 0 : index
    %get3A_0 = arith.constant 0 : index
    %get3A_1 = vector.load %arg1[%get3A, %get3A_0] : memref<2000x128xf32, #tpu.memory_space<vmem>>, vector<2000x128xf32>
    %get3A_2 = arith.constant 0 : index
    %get3A_3 = arith.constant 0 : index
    %get3A_4 = vector.load %arg2[%get3A_2, %get3A_3] : memref<64x128xf32, #tpu.memory_space<vmem>>, vector<64x128xf32>
    %dot_general3A = arith.constant dense<0.000000e+00> : vector<2000x64xf32>
    %dot_general3A_5 = tpu.matmul %get3A_1, %get3A_4, %dot_general3A {dimension_numbers = #tpu.dot_dimension_numbers<[1], [1], [0], [0], [0, 0, 1, 0], [], []>, transpose_lhs_hint = false} : vector<2000x128xf32>, vector<64x128xf32>, vector<2000x64xf32> -> vector<2000x64xf32>
    %swap3A = arith.constant 0 : index
    %swap3A_6 = arith.constant 0 : index
    %swap3A_7 = vector.load %arg4[%swap3A, %swap3A_6] : memref<2000x64xf32, #tpu.memory_space<vmem>>, vector<2000x64xf32>
    tpu.vector_store %arg4[%swap3A, %swap3A_6], %dot_general3A_5 {strides = array<i32>} : memref<2000x64xf32, #tpu.memory_space<vmem>>, vector<2000x64xf32>,
    %get3A_8 = arith.constant 0 : index
    %get3A_9 = arith.constant 0 : index
    %get3A_10 = vector.load %arg3[%get3A_8, %get3A_9] : memref<64x128xf32, #tpu.memory_space<vmem>>, vector<64x128xf32>
    %dot_general3A_11 = arith.constant dense<0.000000e+00> : vector<2000x64xf32>
    %dot_general3A_12 = tpu.matmul %get3A_1, %get3A_10, %dot_general3A_11 {dimension_numbers = #tpu.dot_dimension_numbers<[1], [1], [0], [0], [0, 0, 1, 0], [], []>, transpose_lhs_hint = false} : vector<2000x128xf32>, vector<64x128xf32>, vector<2000x64xf32> -> vector<2000x64xf32>
    %broadcast_in_dim3A = arith.constant 1.000000e+00 : f32
    %broadcast_in_dim3A_13 = vector.broadcast %broadcast_in_dim3A : f32 to vector<2000x1xf32>
    %broadcast_in_dim3A_14 = arith.constant 0.000000e+00 : f32
    %broadcast_in_dim3A_15 = vector.broadcast %broadcast_in_dim3A_14 : f32 to vector<2000x63xf32>
    %concatenate3A = tpu.concatenate %broadcast_in_dim3A_13, %broadcast_in_dim3A_15 in 1 : vector<2000x1xf32>, vector<2000x63xf32> -> vector<2000x64xf32>
    %concatenate3A_16 = tpu.concatenate %dot_general3A_12, %concatenate3A in 1 : vector<2000x64xf32>, vector<2000x64xf32> -> vector<2000x128xf32>
    %swap3A_17 = arith.constant 0 : index
    %swap3A_18 = arith.constant 0 : index
    %swap3A_19 = vector.load %arg5[%swap3A_17, %swap3A_18] : memref<2000x128xf32, #tpu.memory_space<vmem>>, vector<2000x128xf32>
    tpu.vector_store %arg5[%swap3A_17, %swap3A_18], %concatenate3A_16 {strides = array<i32>} : memref<2000x128xf32, #tpu.memory_space<vmem>>, vector<2000x128xf32>,
    return
  }
  func.func @transform_0(%arg0: i32) -> (i32, i32) {
    %c0_i32 = arith.constant 0 : i32
    %c0_i32_0 = arith.constant 0 : i32
    return %arg0, %c0_i32 : i32, i32
  }
  func.func @transform_1(%arg0: i32) -> (i32, i32) {
    %c0_i32 = arith.constant 0 : i32
    %c0_i32_0 = arith.constant 0 : i32
    %c0_i32_1 = arith.constant 0 : i32
    return %c0_i32, %c0_i32_0 : i32, i32
  }
  func.func @transform_2(%arg0: i32) -> (i32, i32) {
    %c0_i32 = arith.constant 0 : i32
    %c0_i32_0 = arith.constant 0 : i32
    %c0_i32_1 = arith.constant 0 : i32
    return %c0_i32, %c0_i32_0 : i32, i32
  }
  func.func @transform_3(%arg0: i32) -> (i32, i32) {
    %c0_i32 = arith.constant 0 : i32
    %c0_i32_0 = arith.constant 0 : i32
    return %arg0, %c0_i32 : i32, i32
  }
  func.func @transform_4(%arg0: i32) -> (i32, i32) {
    %c0_i32 = arith.constant 0 : i32
    %c0_i32_0 = arith.constant 0 : i32
    return %arg0, %c0_i32 : i32, i32
  }
}

module attributes {stable_mosaic.version = 14 : i64} {
  func.func @body(%arg0: i32, %arg1: memref<2000x64xf32, #tpu.memory_space<vmem>>, %arg2: memref<2000x128xf32, #tpu.memory_space<vmem>>, %arg3: memref<1x64xf32, #tpu.memory_space<vmem>>, %arg4: memref<64x64xf32, #tpu.memory_space<vmem>>, %arg5: memref<64x64xf32, #tpu.memory_space<vmem>>, %arg6: memref<2000x64xf32, #tpu.memory_space<vmem>>, %arg7: memref<2000x128xf32, #tpu.memory_space<vmem>>, %arg8: memref<2000x1xf32, #tpu.memory_space<vmem>>) attributes {dimension_semantics = [#tpu.dimension_semantics<arbitrary>], iteration_bounds = array<i64: 5>, scalar_prefetch = 0 : i64, scratch_operands = 0 : i64, tpu.core_type = #tpu.core_type<tc>, window_params = [{transform_indices = @transform_0, window_bounds = array<i64: 2000, 64>}, {transform_indices = @transform_1, window_bounds = array<i64: 2000, 128>}, {pipeline_mode = #tpu.pipeline_mode<synchronous>, transform_indices = @transform_2, window_bounds = array<i64: 1, 64>}, {pipeline_mode = #tpu.pipeline_mode<synchronous>, transform_indices = @transform_3, window_bounds = array<i64: 64, 64>}, {pipeline_mode = #tpu.pipeline_mode<synchronous>, transform_indices = @transform_4, window_bounds = array<i64: 64, 64>}, {transform_indices = @transform_5, window_bounds = array<i64: 2000, 64>}, {transform_indices = @transform_6, window_bounds = array<i64: 2000, 128>}, {transform_indices = @transform_7, window_bounds = array<i64: 2000, 1>}]} {
    %get3A = arith.constant 0 : index
    %get3A_0 = arith.constant 0 : index
    %get3A_1 = vector.load %arg1[%get3A, %get3A_0] : memref<2000x64xf32, #tpu.memory_space<vmem>>, vector<2000x64xf32>
    %get3A_2 = arith.constant 0 : index
    %get3A_3 = arith.constant 0 : index
    %get3A_4 = vector.load %arg2[%get3A_2, %get3A_3] : memref<2000x128xf32, #tpu.memory_space<vmem>>, vector<2000x128xf32>
    %get3A_5 = arith.constant 0 : index
    %get3A_6 = arith.constant 0 : index
    %get3A_7 = vector.load %arg3[%get3A_5, %get3A_6] : memref<1x64xf32, #tpu.memory_space<vmem>>, vector<1x64xf32>
    %slice3A = vector.extract_strided_slice %get3A_4 {offsets = [0, 64], sizes = [2000, 1], strides = [1, 1]} : vector<2000x128xf32> to vector<2000x1xf32>
    %max3A = arith.constant 1.000000e+00 : f32
    %max3A_8 = vector.broadcast %max3A : f32 to vector<2000x1xf32>
    %max3A_9 = arith.maximumf %slice3A, %max3A_8 : vector<2000x1xf32>
    %slice3A_10 = vector.extract_strided_slice %get3A_4 {offsets = [0, 0], sizes = [2000, 64], strides = [1, 1]} : vector<2000x128xf32> to vector<2000x64xf32>
    %div3A = vector.broadcast %max3A_9 : vector<2000x1xf32> to vector<2000x64xf32>
    %div3A_11 = arith.divf %slice3A_10, %div3A : vector<2000x64xf32>
    %add3A = arith.addf %get3A_1, %div3A_11 : vector<2000x64xf32>
    %add3A_12 = vector.broadcast %get3A_7 : vector<1x64xf32> to vector<2000x64xf32>
    %add3A_13 = arith.addf %add3A, %add3A_12 : vector<2000x64xf32>
    %mul3A = arith.mulf %add3A_13, %add3A_13 : vector<2000x64xf32>
    %reduce_sum3A = arith.constant dense<0.000000e+00> : vector<2000xf32>
    %reduce_sum3A_14 = vector.multi_reduction <add>, %mul3A, %reduce_sum3A [1] : vector<2000x64xf32> to vector<2000xf32>
    %broadcast_in_dim3A = vector.shape_cast %reduce_sum3A_14 : vector<2000xf32> to vector<2000x1xf32>
    %sqrt3A = math.sqrt %broadcast_in_dim3A : vector<2000x1xf32>
    %max3A_15 = arith.constant 9.99999996E-13 : f32
    %max3A_16 = vector.broadcast %max3A_15 : f32 to vector<2000x1xf32>
    %max3A_17 = arith.maximumf %sqrt3A, %max3A_16 : vector<2000x1xf32>
    %div3A_18 = vector.broadcast %max3A_17 : vector<2000x1xf32> to vector<2000x64xf32>
    %div3A_19 = arith.divf %add3A_13, %div3A_18 : vector<2000x64xf32>
    %max3A_20 = arith.constant 0.000000e+00 : f32
    %max3A_21 = vector.broadcast %max3A_20 : f32 to vector<2000x64xf32>
    %max3A_22 = arith.maximumf %div3A_19, %max3A_21 : vector<2000x64xf32>
    %swap3A = arith.constant 0 : index
    %swap3A_23 = arith.constant 0 : index
    %swap3A_24 = vector.load %arg8[%swap3A, %swap3A_23] : memref<2000x1xf32, #tpu.memory_space<vmem>>, vector<2000x1xf32>
    tpu.vector_store %arg8[%swap3A, %swap3A_23], %max3A_9 {strides = array<i32>} : memref<2000x1xf32, #tpu.memory_space<vmem>>, vector<2000x1xf32>,
    %get3A_25 = arith.constant 0 : index
    %get3A_26 = arith.constant 0 : index
    %get3A_27 = vector.load %arg4[%get3A_25, %get3A_26] : memref<64x64xf32, #tpu.memory_space<vmem>>, vector<64x64xf32>
    %dot_general3A = arith.constant dense<0.000000e+00> : vector<2000x64xf32>
    %dot_general3A_28 = tpu.matmul %max3A_22, %get3A_27, %dot_general3A {dimension_numbers = #tpu.dot_dimension_numbers<[1], [1], [0], [0], [0, 0, 1, 0], [], []>, transpose_lhs_hint = false} : vector<2000x64xf32>, vector<64x64xf32>, vector<2000x64xf32> -> vector<2000x64xf32>
    %swap3A_29 = arith.constant 0 : index
    %swap3A_30 = arith.constant 0 : index
    %swap3A_31 = vector.load %arg6[%swap3A_29, %swap3A_30] : memref<2000x64xf32, #tpu.memory_space<vmem>>, vector<2000x64xf32>
    tpu.vector_store %arg6[%swap3A_29, %swap3A_30], %dot_general3A_28 {strides = array<i32>} : memref<2000x64xf32, #tpu.memory_space<vmem>>, vector<2000x64xf32>,
    %get3A_32 = arith.constant 0 : index
    %get3A_33 = arith.constant 0 : index
    %get3A_34 = vector.load %arg5[%get3A_32, %get3A_33] : memref<64x64xf32, #tpu.memory_space<vmem>>, vector<64x64xf32>
    %dot_general3A_35 = arith.constant dense<0.000000e+00> : vector<2000x64xf32>
    %dot_general3A_36 = tpu.matmul %max3A_22, %get3A_34, %dot_general3A_35 {dimension_numbers = #tpu.dot_dimension_numbers<[1], [1], [0], [0], [0, 0, 1, 0], [], []>, transpose_lhs_hint = false} : vector<2000x64xf32>, vector<64x64xf32>, vector<2000x64xf32> -> vector<2000x64xf32>
    %broadcast_in_dim3A_37 = arith.constant 1.000000e+00 : f32
    %broadcast_in_dim3A_38 = vector.broadcast %broadcast_in_dim3A_37 : f32 to vector<2000x1xf32>
    %broadcast_in_dim3A_39 = arith.constant 0.000000e+00 : f32
    %broadcast_in_dim3A_40 = vector.broadcast %broadcast_in_dim3A_39 : f32 to vector<2000x63xf32>
    %concatenate3A = tpu.concatenate %broadcast_in_dim3A_38, %broadcast_in_dim3A_40 in 1 : vector<2000x1xf32>, vector<2000x63xf32> -> vector<2000x64xf32>
    %concatenate3A_41 = tpu.concatenate %dot_general3A_36, %concatenate3A in 1 : vector<2000x64xf32>, vector<2000x64xf32> -> vector<2000x128xf32>
    %swap3A_42 = arith.constant 0 : index
    %swap3A_43 = arith.constant 0 : index
    %swap3A_44 = vector.load %arg7[%swap3A_42, %swap3A_43] : memref<2000x128xf32, #tpu.memory_space<vmem>>, vector<2000x128xf32>
    tpu.vector_store %arg7[%swap3A_42, %swap3A_43], %concatenate3A_41 {strides = array<i32>} : memref<2000x128xf32, #tpu.memory_space<vmem>>, vector<2000x128xf32>,
    return
  }
  func.func @transform_0(%arg0: i32) -> (i32, i32) {
    %c0_i32 = arith.constant 0 : i32
    %c0_i32_0 = arith.constant 0 : i32
    return %arg0, %c0_i32 : i32, i32
  }
  func.func @transform_1(%arg0: i32) -> (i32, i32) {
    %c0_i32 = arith.constant 0 : i32
    %c0_i32_0 = arith.constant 0 : i32
    return %arg0, %c0_i32 : i32, i32
  }
  func.func @transform_2(%arg0: i32) -> (i32, i32) {
    %c0_i32 = arith.constant 0 : i32
    %c0_i32_0 = arith.constant 0 : i32
    %c0_i32_1 = arith.constant 0 : i32
    return %c0_i32, %c0_i32_0 : i32, i32
  }
  func.func @transform_3(%arg0: i32) -> (i32, i32) {
    %c0_i32 = arith.constant 0 : i32
    %c0_i32_0 = arith.constant 0 : i32
    %c0_i32_1 = arith.constant 0 : i32
    return %c0_i32, %c0_i32_0 : i32, i32
  }
  func.func @transform_4(%arg0: i32) -> (i32, i32) {
    %c0_i32 = arith.constant 0 : i32
    %c0_i32_0 = arith.constant 0 : i32
    %c0_i32_1 = arith.constant 0 : i32
    return %c0_i32, %c0_i32_0 : i32, i32
  }
  func.func @transform_5(%arg0: i32) -> (i32, i32) {
    %c0_i32 = arith.constant 0 : i32
    %c0_i32_0 = arith.constant 0 : i32
    return %arg0, %c0_i32 : i32, i32
  }
  func.func @transform_6(%arg0: i32) -> (i32, i32) {
    %c0_i32 = arith.constant 0 : i32
    %c0_i32_0 = arith.constant 0 : i32
    return %arg0, %c0_i32 : i32, i32
  }
  func.func @transform_7(%arg0: i32) -> (i32, i32) {
    %c0_i32 = arith.constant 0 : i32
    %c0_i32_0 = arith.constant 0 : i32
    return %arg0, %c0_i32 : i32, i32
  }
}

module attributes {stable_mosaic.version = 14 : i64} {
  func.func @body(%arg0: i32, %arg1: memref<2000x64xf32, #tpu.memory_space<vmem>>, %arg2: memref<2000x128xf32, #tpu.memory_space<vmem>>, %arg3: memref<2000x1xf32, #tpu.memory_space<vmem>>, %arg4: memref<1x64xf32, #tpu.memory_space<vmem>>, %arg5: memref<64x64xf32, #tpu.memory_space<vmem>>, %arg6: memref<1x64xf32, #tpu.memory_space<vmem>>, %arg7: memref<64x64xf32, #tpu.memory_space<vmem>>, %arg8: memref<1x64xf32, #tpu.memory_space<vmem>>, %arg9: memref<2000x64xf32, #tpu.memory_space<vmem>>) attributes {dimension_semantics = [#tpu.dimension_semantics<arbitrary>], iteration_bounds = array<i64: 5>, scalar_prefetch = 0 : i64, scratch_operands = 0 : i64, tpu.core_type = #tpu.core_type<tc>, window_params = [{transform_indices = @transform_0, window_bounds = array<i64: 2000, 64>}, {transform_indices = @transform_1, window_bounds = array<i64: 2000, 128>}, {transform_indices = @transform_2, window_bounds = array<i64: 2000, 1>}, {pipeline_mode = #tpu.pipeline_mode<synchronous>, transform_indices = @transform_3, window_bounds = array<i64: 1, 64>}, {pipeline_mode = #tpu.pipeline_mode<synchronous>, transform_indices = @transform_4, window_bounds = array<i64: 64, 64>}, {pipeline_mode = #tpu.pipeline_mode<synchronous>, transform_indices = @transform_5, window_bounds = array<i64: 1, 64>}, {pipeline_mode = #tpu.pipeline_mode<synchronous>, transform_indices = @transform_6, window_bounds = array<i64: 64, 64>}, {pipeline_mode = #tpu.pipeline_mode<synchronous>, transform_indices = @transform_7, window_bounds = array<i64: 1, 64>}, {transform_indices = @transform_8, window_bounds = array<i64: 2000, 64>}]} {
    %get3A = arith.constant 0 : index
    %get3A_0 = arith.constant 0 : index
    %get3A_1 = vector.load %arg2[%get3A, %get3A_0] : memref<2000x128xf32, #tpu.memory_space<vmem>>, vector<2000x128xf32>
    %get3A_2 = arith.constant 0 : index
    %get3A_3 = arith.constant 0 : index
    %get3A_4 = vector.load %arg1[%get3A_2, %get3A_3] : memref<2000x64xf32, #tpu.memory_space<vmem>>, vector<2000x64xf32>
    %slice3A = vector.extract_strided_slice %get3A_1 {offsets = [0, 0], sizes = [2000, 64], strides = [1, 1]} : vector<2000x128xf32> to vector<2000x64xf32>
    %get3A_5 = arith.constant 0 : index
    %get3A_6 = arith.constant 0 : index
    %get3A_7 = vector.load %arg3[%get3A_5, %get3A_6] : memref<2000x1xf32, #tpu.memory_space<vmem>>, vector<2000x1xf32>
    %div3A = vector.broadcast %get3A_7 : vector<2000x1xf32> to vector<2000x64xf32>
    %div3A_8 = arith.divf %slice3A, %div3A : vector<2000x64xf32>
    %add3A = arith.addf %get3A_4, %div3A_8 : vector<2000x64xf32>
    %get3A_9 = arith.constant 0 : index
    %get3A_10 = arith.constant 0 : index
    %get3A_11 = vector.load %arg4[%get3A_9, %get3A_10] : memref<1x64xf32, #tpu.memory_space<vmem>>, vector<1x64xf32>
    %add3A_12 = vector.broadcast %get3A_11 : vector<1x64xf32> to vector<2000x64xf32>
    %add3A_13 = arith.addf %add3A, %add3A_12 : vector<2000x64xf32>
    %mul3A = arith.mulf %add3A_13, %add3A_13 : vector<2000x64xf32>
    %reduce_sum3A = arith.constant dense<0.000000e+00> : vector<2000xf32>
    %reduce_sum3A_14 = vector.multi_reduction <add>, %mul3A, %reduce_sum3A [1] : vector<2000x64xf32> to vector<2000xf32>
    %broadcast_in_dim3A = vector.shape_cast %reduce_sum3A_14 : vector<2000xf32> to vector<2000x1xf32>
    %sqrt3A = math.sqrt %broadcast_in_dim3A : vector<2000x1xf32>
    %max3A = arith.constant 9.99999996E-13 : f32
    %max3A_15 = vector.broadcast %max3A : f32 to vector<2000x1xf32>
    %max3A_16 = arith.maximumf %sqrt3A, %max3A_15 : vector<2000x1xf32>
    %div3A_17 = vector.broadcast %max3A_16 : vector<2000x1xf32> to vector<2000x64xf32>
    %div3A_18 = arith.divf %add3A_13, %div3A_17 : vector<2000x64xf32>
    %max3A_19 = arith.constant 0.000000e+00 : f32
    %max3A_20 = vector.broadcast %max3A_19 : f32 to vector<2000x64xf32>
    %max3A_21 = arith.maximumf %div3A_18, %max3A_20 : vector<2000x64xf32>
    %get3A_22 = arith.constant 0 : index
    %get3A_23 = arith.constant 0 : index
    %get3A_24 = vector.load %arg5[%get3A_22, %get3A_23] : memref<64x64xf32, #tpu.memory_space<vmem>>, vector<64x64xf32>
    %dot_general3A = arith.constant dense<0.000000e+00> : vector<2000x64xf32>
    %dot_general3A_25 = tpu.matmul %max3A_21, %get3A_24, %dot_general3A {dimension_numbers = #tpu.dot_dimension_numbers<[1], [1], [0], [0], [0, 0, 1, 0], [], []>, transpose_lhs_hint = false} : vector<2000x64xf32>, vector<64x64xf32>, vector<2000x64xf32> -> vector<2000x64xf32>
    %get3A_26 = arith.constant 0 : index
    %get3A_27 = arith.constant 0 : index
    %get3A_28 = vector.load %arg6[%get3A_26, %get3A_27] : memref<1x64xf32, #tpu.memory_space<vmem>>, vector<1x64xf32>
    %add3A_29 = vector.broadcast %get3A_28 : vector<1x64xf32> to vector<2000x64xf32>
    %add3A_30 = arith.addf %dot_general3A_25, %add3A_29 : vector<2000x64xf32>
    %get3A_31 = arith.constant 0 : index
    %get3A_32 = arith.constant 0 : index
    %get3A_33 = vector.load %arg7[%get3A_31, %get3A_32] : memref<64x64xf32, #tpu.memory_space<vmem>>, vector<64x64xf32>
    %dot_general3A_34 = arith.constant dense<0.000000e+00> : vector<2000x64xf32>
    %dot_general3A_35 = tpu.matmul %add3A_30, %get3A_33, %dot_general3A_34 {dimension_numbers = #tpu.dot_dimension_numbers<[1], [1], [0], [0], [0, 0, 1, 0], [], []>, transpose_lhs_hint = false} : vector<2000x64xf32>, vector<64x64xf32>, vector<2000x64xf32> -> vector<2000x64xf32>
    %get3A_36 = arith.constant 0 : index
    %get3A_37 = arith.constant 0 : index
    %get3A_38 = vector.load %arg8[%get3A_36, %get3A_37] : memref<1x64xf32, #tpu.memory_space<vmem>>, vector<1x64xf32>
    %add3A_39 = vector.broadcast %get3A_38 : vector<1x64xf32> to vector<2000x64xf32>
    %add3A_40 = arith.addf %dot_general3A_35, %add3A_39 : vector<2000x64xf32>
    %swap3A = arith.constant 0 : index
    %swap3A_41 = arith.constant 0 : index
    %swap3A_42 = vector.load %arg9[%swap3A, %swap3A_41] : memref<2000x64xf32, #tpu.memory_space<vmem>>, vector<2000x64xf32>
    tpu.vector_store %arg9[%swap3A, %swap3A_41], %add3A_40 {strides = array<i32>} : memref<2000x64xf32, #tpu.memory_space<vmem>>, vector<2000x64xf32>,
    return
  }
  func.func @transform_0(%arg0: i32) -> (i32, i32) {
    %c0_i32 = arith.constant 0 : i32
    %c0_i32_0 = arith.constant 0 : i32
    return %arg0, %c0_i32 : i32, i32
  }
  func.func @transform_1(%arg0: i32) -> (i32, i32) {
    %c0_i32 = arith.constant 0 : i32
    %c0_i32_0 = arith.constant 0 : i32
    return %arg0, %c0_i32 : i32, i32
  }
  func.func @transform_2(%arg0: i32) -> (i32, i32) {
    %c0_i32 = arith.constant 0 : i32
    %c0_i32_0 = arith.constant 0 : i32
    return %arg0, %c0_i32 : i32, i32
  }
  func.func @transform_3(%arg0: i32) -> (i32, i32) {
    %c0_i32 = arith.constant 0 : i32
    %c0_i32_0 = arith.constant 0 : i32
    %c0_i32_1 = arith.constant 0 : i32
    return %c0_i32, %c0_i32_0 : i32, i32
  }
  func.func @transform_4(%arg0: i32) -> (i32, i32) {
    %c0_i32 = arith.constant 0 : i32
    %c0_i32_0 = arith.constant 0 : i32
    %c0_i32_1 = arith.constant 0 : i32
    return %c0_i32, %c0_i32_0 : i32, i32
  }
  func.func @transform_5(%arg0: i32) -> (i32, i32) {
    %c0_i32 = arith.constant 0 : i32
    %c0_i32_0 = arith.constant 0 : i32
    %c0_i32_1 = arith.constant 0 : i32
    return %c0_i32, %c0_i32_0 : i32, i32
  }
  func.func @transform_6(%arg0: i32) -> (i32, i32) {
    %c0_i32 = arith.constant 0 : i32
    %c0_i32_0 = arith.constant 0 : i32
    %c0_i32_1 = arith.constant 0 : i32
    return %c0_i32, %c0_i32_0 : i32, i32
  }
  func.func @transform_7(%arg0: i32) -> (i32, i32) {
    %c0_i32 = arith.constant 0 : i32
    %c0_i32_0 = arith.constant 0 : i32
    %c0_i32_1 = arith.constant 0 : i32
    return %c0_i32, %c0_i32_0 : i32, i32
  }
  func.func @transform_8(%arg0: i32) -> (i32, i32) {
    %c0_i32 = arith.constant 0 : i32
    %c0_i32_0 = arith.constant 0 : i32
    return %arg0, %c0_i32 : i32, i32
  }
}

</mosaic_0001>

<sc_bundles>
// kernel: kernel.11.cloned.1.call-start
scs
__scs_entry_jumppad:
0x0: {  	(pc) =	sbr.rel $0x88, $3  }
0x1: {  	(tag) =	ssettag $0x0;
	lr =	simm.s32 $0x1  }
0x2: {  	[smem:$0x3F93] =	sst lr;
	_ =	strace $0xD0000000  }
0x3: {  	_ = 	snop  }
0x4: {  	_ = 	snop  }
0x5: {  	_ = 	snop  }
0x6: {  	_ = 	snop  }
0x7: {  	_ = 	snop  }
__scs_overlays_trampoline_lowered:
0x8: {  	[smem:$0x3FA2] =	sst s0  }
0x9: {  	[smem:$0x3FA3] =	sst s1  }
0xa: {  	[smem:$0x3FA4] =	sst s2  }
0xb: {  	[smem:$0x3FA5] =	sst s3  }
0xc: {  	[smem:$0x3FA6] =	sst s4  }
0xd: {  	[smem:$0x3FA7] =	sst s5  }
0xe: {  	[smem:$0x3FA8] =	sst s6  }
0xf: {  	[smem:$0x3FA9] =	sst s7  }
0x10: {  	[smem:$0x3FAA] =	sst s8  }
0x11: {  	[smem:$0x3FAB] =	sst s9;
	s0 =	simm.s32 @!p0 $0x0  }
0x12: {  	s1 =	sld [smem:$0x3F91];
	s0 =	simm.s32 @p0 $0x1  }
0x13: {  	[smem:$0x3FAC] =	sst s0;
	s0 =	simm.s32 @!p1 $0x0  }
0x14: {  	s2 =	sld [smem:$0x3F90];
	s0 =	simm.s32 @p1 $0x1  }
0x15: {  	[smem:$0x3FAD] =	sst s0;
	s0 =	simm.s32 @!p2 $0x0  }
0x16: {  	s3 =	sld [smem:$0x3FDB];
	s0 =	simm.s32 @p2 $0x1  }
0x17: {  	s4 =	simm.s32 $0x1BF5;
	[smem:$0x3FAF] =	sst s0  }
0x18: {  	s0 =	sld [smem:$0x3F92];
	_ =	swait.ge [sflag:s4], $0x0  }
0x19: {  	s7 =	sld [smem:$0x3F93]  }
0x1a: {  	s8 =	sadd.s32 $0xFFFFE003, lr  }
0x1b: {  	s9 =	sadd.s32 $0xFFFFFEF7, lr;
	s5 =	simm.s32 $0xFFFFFFFF;
	p2 =	slt.u32 s8, $0xFFFFF086  }
0x1c: {  	p1 =	slt.u32 s9, $0xF7A;
	s5 =	simm.s32 @!p2 $0x0  }
0x1d: {  	s5 =	simm.s32 @p1 $0x1;
	p0 =	seq.s32 s7, s2  }
0x1e: {  	s7 =	smul.u32 @!p0 $0xF7A, s2;
	p2 =	seq.s32 @!p0 s5, $0x0  }
0x1f: {  	s9 =	smul.u32 $0xF7A, s1;
	s8 =	simm.s32 @!p0 $0x1BF5;
	p2 =	por !p2, p0  }
0x20: {  	[sflag:s8] =	ssyncset.s32 @!p0 $0xFFFFF086;
	s6 =	sadd.s32 @!p0 s3, s7;
	s7 =	simm.s32 @!p0 $0x108  }
0x21: {  	s3 =	sadd.s32 s3, s9;
	s6 =	sadd.s32 @!p0 $0x88, s6;
	s7 =	simm.s32 @p2 $0x1082  }
0x22: {  	[simem:s7], [sflag:s8] =	dma.local @!p0 [hbm:s6], $0xF7A  }
0x23: {  	s9 =	sor.u32 $0xD0000000, s2;
	s6 =	simm.s32 $0x108;
	_ =	swait.ge @!p0 [sflag:s8], $0x0  }
0x24: {  	s3 =	sadd.s32 $0x88, s3;
	s6 =	simm.s32 @!p1 $0x1082;
	[sflag:s4] =	ssyncset.s32 $0xFFFFF086  }
0x25: {  	[simem:s6], [sflag:s4] =	dma.local [hbm:s3], $0xF7A  }
0x26: {  	[smem:$0x3F93] =	sst s1;
	(tag) =	ssettag s2;
	_ =	strace s9  }
0x27: {  	s1 =	sld [smem:$0x3FA3]  }
0x28: {  	s2 =	sld [smem:$0x3FA4]  }
0x29: {  	s4 =	sld [smem:$0x3FA6]  }
0x2a: {  	p0 =	seq.s32 s5, $0x0;
	s5 =	sld [smem:$0x3FA7]  }
0x2b: {  	s6 =	sld [smem:$0x3FA8]  }
0x2c: {  	s7 =	sld [smem:$0x3FA9]  }
0x2d: {  	s3 =	simm.s32 $0x108;
	s8 =	sld [smem:$0x3FAA]  }
0x2e: {  	s3 =	simm.s32 @!p0 $0x1082;
	s9 =	sld [smem:$0x3FAB]  }
0x2f: {  	lr =	sadd.s32 s0, s3;
	s0 =	sld [smem:$0x3FA2]  }
0x30: {  	s3 =	sld [smem:$0x3FA5]  }
0x31: {  	[smem:$0x3FAE] =	sst s10  }
0x32: {  	s10 =	sld [smem:$0x3FAC];
	_ =	sdelay $0x3  }
0x33: {  	p0 =	seq.s32 s10, $0x1;
	s10 =	sld [smem:$0x3FAE];
	_ =	sdelay $0x3  }
0x34: {  	[smem:$0x3FAE] =	sst s10  }
0x35: {  	s10 =	sld [smem:$0x3FAD];
	_ =	sdelay $0x3  }
0x36: {  	p1 =	seq.s32 s10, $0x1;
	s10 =	sld [smem:$0x3FAE];
	_ =	sdelay $0x3  }
0x37: {  	[smem:$0x3FAE] =	sst s10  }
0x38: {  	s10 =	sld [smem:$0x3FAF]  }
0x39: {  	_ = 	snop;
	(pc) =	sbr.ind lr, $3  }
0x3a: {  	_ = 	snop  }
0x3b: {  	_ = 	snop  }
0x3c: {  	p2 =	seq.s32 s10, $0x1;
	s10 =	sld [smem:$0x3FAE]  }
0x3d: {  	_ =	shalt  }
0x3e: {  	_ =	shalt  }
0x3f: {  	_ =	shalt  }
0x40: {  	_ =	shalt  }
0x41: {  	_ =	shalt  }
0x42: {  	_ =	shalt  }
0x43: {  	_ =	shalt  }
0x44: {  	_ =	shalt  }
0x45: {  	_ =	shalt  }
0x46: {  	_ =	shalt  }
0x47: {  	_ =	shalt  }
0x48: {  	_ =	shalt  }
0x49: {  	_ =	shalt  }
0x4a: {  	_ =	shalt  }
0x4b: {  	_ =	shalt  }
0x4c: {  	_ =	shalt  }
0x4d: {  	_ =	shalt  }
0x4e: {  	_ =	shalt  }
0x4f: {  	_ =	shalt  }
0x50: {  	_ =	shalt  }
0x51: {  	_ =	shalt  }
0x52: {  	_ =	shalt  }
0x53: {  	_ =	shalt  }
0x54: {  	_ =	shalt  }
0x55: {  	_ =	shalt  }
0x56: {  	_ =	shalt  }
0x57: {  	_ =	shalt  }
0x58: {  	_ =	shalt  }
0x59: {  	_ =	shalt  }
0x5a: {  	_ =	shalt  }
0x5b: {  	_ =	shalt  }
0x5c: {  	_ =	shalt  }
0x5d: {  	_ =	shalt  }
0x5e: {  	_ =	shalt  }
0x5f: {  	_ =	shalt  }
0x60: {  	_ =	shalt  }
0x61: {  	_ =	shalt  }
0x62: {  	_ =	shalt  }
0x63: {  	_ =	shalt  }
0x64: {  	_ =	shalt  }
0x65: {  	_ =	shalt  }
0x66: {  	_ =	shalt  }
0x67: {  	_ =	shalt  }
0x68: {  	_ =	shalt  }
0x69: {  	_ =	shalt  }
0x6a: {  	_ =	shalt  }
0x6b: {  	_ =	shalt  }
0x6c: {  	_ =	shalt  }
0x6d: {  	_ =	shalt  }
0x6e: {  	_ =	shalt  }
0x6f: {  	_ =	shalt  }
0x70: {  	_ =	shalt  }
0x71: {  	_ =	shalt  }
0x72: {  	_ =	shalt  }
0x73: {  	_ =	shalt  }
0x74: {  	_ =	shalt  }
0x75: {  	_ =	shalt  }
0x76: {  	_ =	shalt  }
0x77: {  	_ =	shalt  }
0x78: {  	_ =	shalt  }
0x79: {  	_ =	shalt  }
0x7a: {  	_ =	shalt  }
0x7b: {  	_ =	shalt  }
0x7c: {  	_ =	shalt  }
0x7d: {  	_ =	shalt  }
0x7e: {  	_ =	shalt  }
0x7f: {  	_ =	shalt  }
0x80: {  	_ =	shalt  }
0x81: {  	_ =	shalt  }
0x82: {  	_ =	shalt  }
0x83: {  	_ =	shalt  }
0x84: {  	_ =	shalt  }
0x85: {  	_ =	shalt  }
0x86: {  	_ =	shalt  }
0x87: {  	_ =	shalt  }
.Lfunc_end0:
.L_simem_size_0:
called_computation.1_lowered:
.L_overlay_start_0:
0x88: {  	s2 =	sld [smem:$0x3FD9]  }
0x89: {  	s3 =	sld [smem:$0x3FFE];
	_ =	sdelay $0x1  }
0x8a: {  	s1 =	srdreg.scid  }
0x8b: {  	s0 =	sand.u32 $0x1, s1  }
0x8c: {  	s17 =	sshll.u32 s0, $0xA;
	s2 =	sadd.s32 s3, s2  }
0x8d: {  	s2 =	sadd.s32 s2, s17  }
0x8e: {  	[smem:$0x3FBA] =	sst s2  }
0x8f: {  	_ = 	snop  }
0x90: {  	s2 =	sld [smem:$0x3FD0];
	(tm) =	ssettm $0x1  }
0x91: {  	s18 =	sld [smem:$0x3FFB];
	_ =	sdelay $0x3  }
0x92: {  	_ =	strace s18  }
0x93: {  	s3 =	sld [smem:$0x3FFC];
	_ =	sdelay $0x3  }
0x94: {  	_ =	strace s3  }
0x95: {  	s3 =	sld [smem:$0x3FFD];
	_ =	sdelay $0x3  }
0x96: {  	_ =	strace s3  }
0x97: {  	_ =	strace $0x8FFFFFFF  }
0x98: {  	s19 =	sld [smem:$0x3FDB];
	_ =	sdelay $0x1  }
0x99: {  	s4 =	simm.s32 $_scs_section_size  }
0x9a: {  	s5 =	simm.s32 $_size__tile_overlayer_lowered;
	s6 =	simm.s32 $_tile_overlayer_lowered  }
0x9b: {  	s22 =	simm.s32 $0x1BFF;
	s21 =	sshll.u32 s6, $0x1;
	s3 =	sadd.s32 s4, s19  }
0x9c: {  	s7 =	simm.s32 $0x0;
	s20 =	sshll.u32 s5, $0x1;
	s5 =	sadd.s32 s21, s3  }
0x9d: {  	[timem:s7], [sflag:s22] =	dma.local [hbm:s5], s20  }
0x9e: {  	_ =	swait.ge [sflag:s22], s20  }
0x9f: {  	s4 =	ssub.s32 $0x0, s20;
	[sflag:s22] =	ssyncset.done $0x0  }
0xa0: {  	[sflag:s22] =	ssyncadd.s32 s4;
	_ =	sdelay $0x1  }
0xa1: {  	s23 =	simm.s32 $0x1B8B  }
0xa2: {  	_ =	swait.ge [sflag:s23], $0x1  }
0xa3: {  	[sflag:s23] =	ssyncset.done $0x0  }
0xa4: {  	s25 =	simm.s32 $0x1B8E;
	s24 =	sld [smem:$0x3FFE];
	[sflag:s23] =	ssyncadd.s32 $0xFFFFFFFF  }
0xa5: {  	s26 =	simm.s32 $execute0_lowered;
	[smem:$0x3FD2] =	sst s25  }
0xa6: {  	s5 =	sshll.u32 s26, $0x1;
	_ =	strace $0x80000049;
	[dreg:$0x1] =	wrdreg $0xFFFFFFFF  }
0xa7: {  	s28 =	simm.s32 $_size_execute0_lowered;
	s3 =	sadd.s32 s3, s5;
	[dreg:$0x0] =	wrdreg $0x0  }
0xa8: {  	s5 =	sshll.u32 s28, $0x1;
	[dreg:$0x2] =	wrdreg s3  }
0xa9: {  	[dreg:$0x3] =	wrdreg s5  }
0xaa: {  	[dreg:$0x4] =	wrdreg $0xC0  }
0xab: {  	_ =	task [dreg:s7], $0x5FFFF  }
0xac: {  	[dreg:$0x1] =	wrdreg $0xFFFFFFFF  }
0xad: {  	[dreg:$0x0] =	wrdreg $0x60  }
0xae: {  	[dreg:$0x2] =	wrdreg s24  }
0xaf: {  	[dreg:$0x3] =	wrdreg s2  }
0xb0: {  	[dreg:$0x4] =	wrdreg $0x11E800  }
0xb1: {  	[dreg:$0x5] =	wrdreg $0x9  }
0xb2: {  	_ =	task.clear_ibuf [dreg:s7], $0x6FFFF;
	_ =	strace $0x90000049  }
0xb3: {  	s29 =	simm.s32 $0x9;
	_ =	strace $0x8000004B  }
0xb4: {  	_ =	swait.ge [sflag:s29], $0x1  }
0xb5: {  	[sflag:s29] =	ssyncadd.s32 $0xFFFFFFFF  }
0xb6: {  	_ =	strace $0x9000004B  }
0xb7: {  	_ =	sfence  }
0xb8: {  	s30 =	sld [smem:$0x0];
	_ =	sdelay $0x2  }
0xb9: {  	s31 =	sshll.u32 s1, $0xD;
	s1 =	sshrl.u32 s1, $0x2  }
0xba: {  	s3 =	sand.u32 $0x4000, s31;
	s1 =	sadd.s32 s1, s30  }
0xbb: {  	s0 =	sor.u32 s3, s0;
	s1 =	sshll.u32 s1, $0x11  }
0xbc: {  	s0 =	sor.u32 s1, s0  }
0xbd: {  	s0 =	sadd.s32 $0x8F2B, s0  }
0xbe: {  	[sflag:s0] =	ssyncadd.remote.s32 $0x1  }
0xbf: {  	_ =	sfence.sel $0xFFFF  }
0xc0: {  	[dreg:$0x0] =	wrdreg $0xFFFFFFFF;
	(pc) =	sbr.abs _section_cstart, $3  }
0xc1: {  	[dreg:$0x1] =	wrdreg $0xFFFFFFFF  }
0xc2: {  	_ =	task.clear_ibuf [dreg:s7], $0x2FFFF;
	_ =	strace $0x9FFFFFFF  }
0xc3: {  	(tm) =	ssettm $0x7FFFFFFF  }
tec
execute0_lowered:
.L_overlay_start_1:
0x0: {  	(tag) =	ssettag $0x1  }
0x1: {  	s5 =	rddreg [dreg:$0x0]  }
0x2: {  	s6 =	rddreg [dreg:$0x1]  }
0x3: {  	s2 =	rddreg [dreg:$0x2]  }
0x4: {  	s0 =	rddreg [dreg:$0x3];
	s3 =	simm.s32 $0x0;
	s1 =	stileid.u32  }
0x5: {  	s4 =	srdreg.scid;
	s16 =	simm.s32 $0x50;
	s17 =	simm.s32 $0xCE80  }
0x6: {  	s18 =	simm.s32 $0xF680;
	s19 =	simm.s32 $0x1;
	s7 =	smul.u32 $0x1500, s1  }
0x7: {  	s20 =	simm.s32 $0x2;
	s21 =	simm.s32 $0xCD80;
	s11 =	smul.u32 $0x1400, s1  }
0x8: {  	s22 =	simm.s32 $0xCDD0;
	[smem:$0x7FF] =	sst s3;
	s26 =	smul.u32 $0x2A000, s1  }
0x9: {  	s8 =	sand.u32 $0x1, s4;
	s4 =	sadd.s32 $0x12E00, s5;
	s29 =	smul.u32 $0x28000, s1  }
0xa: {  	s10 =	sshll.u32 s1, $0xC;
	s13 =	sshrl.u32 s1, $0x3;
	s9 =	smul.u32 $0x14000, s8  }
0xb: {  	s25 =	sshll.u32 s1, $0x7;
	s14 =	sshll.u32 s1, $0x6;
	s12 =	smul.u32 $0x4E800, s8  }
0xc: {  	_ =	strace $0x8000004A;
	s10 =	sadd.s32 s10, s5;
	s23 =	smul.u32 $0x27400, s13  }
0xd: {  	s24 =	ssub.s32 $0x2, s8;
	s8 =	sand.u32 $0x380, s25;
	s14 =	sor.u32 $0x1C03, s14  }
0xe: {  	s7 =	sadd.s32 s7, s5;
	s28 =	sshrl.u32 s24, $0x1;
	s30 =	sshrl.u32 s26, $0x2  }
0xf: {  	s31 =	sshrl.u32 s29, $0x2;
	s9 =	sadd.s32 s11, s9;
	s11 =	sadd.s32 s12, s23  }
0x10: {  	s13 =	ssub.s32 s24, s28;
	s15 =	sadd.s32 s30, s2;
	s7 =	sadd.s32 $0x3AE00, s7  }
0x11: {  	s23 =	sadd.s32 s31, s2;
	s12 =	simm.s32 $0x400;
	s24 =	simm.s32 $0x0  }
0x12: {  	s9 =	sadd.s32 s9, s5;
	s8 =	sor.u32 s8, s11;
	s5 =	sadd.s32 $0x2E00, s10  }
0x13: {  	s10 =	simm.s32 $0x3;
	s11 =	simm.s32 $0x80;
	s8 =	sshrl.u32 s8, $0x3  }
0x14: {  	s15 =	sshrl.u32 s15, $0x3;
	s23 =	sshrl.u32 s23, $0x3;
	s6 =	sadd.s32 s6, s8  }
0x15: {  	s8 =	sadd.s32 $0x4FE00, s9;
	s9 =	smax.u32 s13, $0x1;
	s13 =	simm.s32 $0x8000  }
.LBB2_1:
0x16: {  	[tilespmem:s3], [sflag:$0x3] =	stream.linear.gather [hbm4b:s5+s3], $0x7D00, $0x38;
	[tilespmem:$0x1C680] =	vst v63  }
0x17: {  	_ =	swait.ge [sflag:s10], $0x7D00  }
0x18: {  	[sflag:s10] =	ssyncset.done $0x0  }
0x19: {  	[sflag:s10] =	ssyncadd.s32 $0xFFFF8300  }
0x1a: {  	[tilespmem:s13], [sflag:$0x3] =	stream.strided.gather [hbm4b:s6+s11], $0x4E80, s12, s11, $0x38;
	[tilespmem:$0x1C680] =	vst v63  }
0x1b: {  	_ =	swait.ge [sflag:s10], $0x4E80  }
0x1c: {  	[sflag:s10] =	ssyncset.done $0x0  }
0x1d: {  	[sflag:s10] =	ssyncadd.s32 $0xFFFFB180  }
0x1e: {  	[spmem:s15], [sflag:s14] =	dma.local [hbm:s7], $0x1500  }
0x1f: {  	_ =	swait.ge [sflag:s10], $0x1500  }
0x20: {  	[sflag:s10] =	ssyncset.done $0x0  }
0x21: {  	[sflag:s10] =	ssyncadd.s32 $0xFFFFEB00  }
0x22: {  	[bflag:$0x0] =	sbarrier.arrive $0xFFFF  }
0x23: {  	[tilespmem:s17], [sflag:$0x1] =	stream.indirect.gather [hbm4b:s4+s16], $0x80, s3, s16, $0xb8;
	[tilespmem:$0x1C680] =	vst v63  }
0x24: {  	_ = 	snop  }
0x25: {  	[tilespmem:s18], [sflag:$0x2] =	stream.indirect.gather [hbm4b:s4+s16], $0x80, s11, s16, $0xb8;
	[tilespmem:$0x1C680] =	vst v63  }
0x26: {  	_ =	swait.ge [sflag:s19], $0x2800  }
0x27: {  	[sflag:s19] =	ssyncset.done $0x0  }
0x28: {  	s25 =	simm.s32 $0x8000;
	[sflag:s19] =	ssyncadd.s32 $0xFFFFD800  }
0x29: {  	[spmem:s2] =	stream.indirect.scatter.add.f32 [tilespmem:s17], [sflag:$0x3], $0x80, s25, s16, $0xb8;
	[tilespmem:$0x1C680] =	vst v63  }
0x2a: {  	_ =	swait.ge [sflag:s10], $0x2800  }
0x2b: {  	[sflag:s10] =	ssyncset.done $0x0  }
0x2c: {  	s30 =	simm.s32 $0x100;
	[sflag:s10] =	ssyncadd.s32 $0xFFFFD800  }
0x2d: {  	[tilespmem:s17], [sflag:$0x1] =	stream.indirect.gather [hbm4b:s4+s16], $0x80, s30, s16, $0xb8;
	[tilespmem:$0x1C680] =	vst v63  }
0x2e: {  	_ =	swait.ge [sflag:s20], $0x2800  }
0x2f: {  	[sflag:s20] =	ssyncset.done $0x0  }
0x30: {  	s31 =	simm.s32 $0x8050;
	[sflag:s20] =	ssyncadd.s32 $0xFFFFD800  }
0x31: {  	[spmem:s2] =	stream.indirect.scatter.add.f32 [tilespmem:s18], [sflag:$0x3], $0x80, s31, s16, $0xb8;
	[tilespmem:$0x1C680] =	vst v63  }
0x32: {  	_ =	swait.ge [sflag:s10], $0x2800  }
0x33: {  	s26 =	simm.s32 $0x280;
	[sflag:s10] =	ssyncset.done $0x0  }
0x34: {  	s28 =	simm.s32 $0x280;
	s25 =	simm.s32 $0x180;
	[sflag:s10] =	ssyncadd.s32 $0xFFFFD800  }
.LBB2_2:
0x35: {  	[tilespmem:s18], [sflag:$0x2] =	stream.indirect.gather [hbm4b:s4+s16], $0x80, s25, s16, $0xb8;
	[tilespmem:$0x1C680] =	vst v63  }
0x36: {  	s29 =	smov.u32 s26;
	s25 =	smov.u32 s28  }
0x37: {  	p0 =	sne.s32 s26, $0x13380;
	s26 =	sadd.s32 $0x280, s26;
	_ =	swait.ge [sflag:s19], $0x2800  }
0x38: {  	s29 =	sshra.s32 s29, $0x2;
	[sflag:s19] =	ssyncset.done $0x0  }
0x39: {  	s30 =	sadd.s32 $0x8000, s29;
	[sflag:s19] =	ssyncadd.s32 $0xFFFFD800  }
0x3a: {  	[spmem:s2] =	stream.indirect.scatter.add.f32 [tilespmem:s17], [sflag:$0x3], $0x80, s30, s16, $0xb8;
	[tilespmem:$0x1C680] =	vst v63  }
0x3b: {  	_ =	swait.ge [sflag:s10], $0x2800  }
0x3c: {  	[sflag:s10] =	ssyncset.done $0x0  }
0x3d: {  	s30 =	sadd.s32 $0xFFFFFF80, s28;
	[sflag:s10] =	ssyncadd.s32 $0xFFFFD800  }
0x3e: {  	[tilespmem:s17], [sflag:$0x1] =	stream.indirect.gather [hbm4b:s4+s16], $0x80, s30, s16, $0xb8;
	[tilespmem:$0x1C680] =	vst v63  }
0x3f: {  	_ =	swait.ge [sflag:s20], $0x2800  }
0x40: {  	[sflag:s20] =	ssyncset.done $0x0  }
.Ltmp0:
0x41: {  	s29 =	sadd.s32 $0x8050, s29;
	[sflag:s20] =	ssyncadd.s32 $0xFFFFD800;
	(pc) =	sbr.rel @p0 .LBB2_2-.Ltmp0, $4  }
0x42: {  	[spmem:s2] =	stream.indirect.scatter.add.f32 [tilespmem:s18], [sflag:$0x3], $0x80, s29, s16, $0xb8;
	[tilespmem:$0x1C680] =	vst v63  }
0x43: {  	_ =	swait.ge [sflag:s10], $0x2800  }
0x44: {  	[sflag:s10] =	ssyncset.done $0x0  }
0x45: {  	s28 =	sadd.s32 $0x100, s28;
	[sflag:s10] =	ssyncadd.s32 $0xFFFFD800  }
0x46: {  	[tilespmem:s18], [sflag:$0x2] =	stream.indirect.gather [hbm4b:s4+s16], $0x80, s25, s16, $0xb8;
	[tilespmem:$0x1C680] =	vst v63  }
0x47: {  	_ =	swait.ge [sflag:s19], $0x2800  }
0x48: {  	[sflag:s19] =	ssyncset.done $0x0  }
0x49: {  	[sflag:s19] =	ssyncadd.s32 $0xFFFFD800  }
0x4a: {  	[spmem:s2] =	stream.indirect.scatter.add.f32 [tilespmem:s17], [sflag:$0x3], $0x80, s21, s16, $0xb8;
	[tilespmem:$0x1C680] =	vst v63  }
0x4b: {  	_ =	swait.ge [sflag:s10], $0x2800  }
0x4c: {  	[sflag:s10] =	ssyncset.done $0x0  }
0x4d: {  	[sflag:s10] =	ssyncadd.s32 $0xFFFFD800  }
0x4e: {  	_ =	swait.ge [sflag:s20], $0x2800  }
0x4f: {  	[sflag:s20] =	ssyncset.done $0x0  }
0x50: {  	[sflag:s20] =	ssyncadd.s32 $0xFFFFD800  }
0x51: {  	[spmem:s2] =	stream.indirect.scatter.add.f32 [tilespmem:s18], [sflag:$0x3], $0x80, s22, s16, $0xb8;
	[tilespmem:$0x1C680] =	vst v63  }
0x52: {  	_ =	swait.ge [sflag:s10], $0x2800  }
0x53: {  	s24 =	sadd.s32 $0x1, s24;
	[sflag:s10] =	ssyncset.done $0x0  }
0x54: {  	p0 =	sne.s32 s24, s9;
	[sflag:s10] =	ssyncadd.s32 $0xFFFFD800  }
.Ltmp1:
0x55: {  	[bflag:$0x0] =	sbarrier.arrive $0xFFFF;
	(pc) =	sbr.rel @p0 .LBB2_1-.Ltmp1, $4  }
0x56: {  	[hbm:s8], [sflag:s14] =	dma.local [spmem:s23], $0x1400  }
0x57: {  	_ =	swait.ge [sflag:s10], $0x1400  }
0x58: {  	[sflag:s10] =	ssyncset.done $0x0  }
0x59: {  	[sflag:s10] =	ssyncadd.s32 $0xFFFFEC00  }
0x5a: {  	_ =	sfence.sel $0x180000  }
0x5b: {  	[bflag:$0x0] =	sbarrier.arrive $0xFFFF  }
0x5c: {  	p0 =	sne.s32 s1, $0x0;
	_ =	strace $0x9000004A  }
0x5d: {  	s0 =	sadd.s32 @!p0 $0x100000, s0;
	[bflag:$0x2] =	sbarrier.arrive $0xFFFF  }
0x5e: {  	[sflag:s0] =	ssyncadd.tile.s32 @!p0 $0x1;
	_ =	shalt  }
.Lfunc_end2:
_tile_overlayer_lowered:
.L_overlay_start_2:
0x5f: {  	(tag) =	ssettag $0x2  }
0x60: {  	s0 =	rddreg [dreg:$0x0];
	s2 =	stileid.u32  }
0x61: {  	s1 =	rddreg [dreg:$0x1];
	p0 =	sne.s32 s2, $0x0  }
0x62: {  	s3 =	rddreg [dreg:$0x2];
	[bflag:$0x3] =	sbarrier.arrive $0xFFFF;
	s2 =	simm.s32 @!p0 $0x1C03  }
0x63: {  	[timem:s3], [sflag:s2] =	dma.local @!p0 [hbm:s0], s1  }
0x64: {  	s0 =	simm.s32 @!p0 $0x3  }
0x65: {  	_ =	swait.ge @!p0 [sflag:s0], s1  }
0x66: {  	s1 =	ssub.s32 @!p0 $0x0, s1;
	[sflag:s0] =	ssyncset.done @!p0 $0x0  }
0x67: {  	[sflag:s0] =	ssyncadd.s32 @!p0 s1  }
0x68: {  	[bflag:$0x3] =	sbarrier.arrive $0xFFFF  }
0x69: {  	_ =	shalt  }

// kernel: kernel.8.cloned.1.call-start
scs
__scs_entry_jumppad:
0x0: {  	(pc) =	sbr.rel $0x88, $3  }
0x1: {  	(tag) =	ssettag $0x0;
	lr =	simm.s32 $0x1  }
0x2: {  	[smem:$0x3F93] =	sst lr;
	_ =	strace $0xD0000000  }
0x3: {  	_ = 	snop  }
0x4: {  	_ = 	snop  }
0x5: {  	_ = 	snop  }
0x6: {  	_ = 	snop  }
0x7: {  	_ = 	snop  }
__scs_overlays_trampoline_lowered:
0x8: {  	[smem:$0x3FA2] =	sst s0  }
0x9: {  	[smem:$0x3FA3] =	sst s1  }
0xa: {  	[smem:$0x3FA4] =	sst s2  }
0xb: {  	[smem:$0x3FA5] =	sst s3  }
0xc: {  	[smem:$0x3FA6] =	sst s4  }
0xd: {  	[smem:$0x3FA7] =	sst s5  }
0xe: {  	[smem:$0x3FA8] =	sst s6  }
0xf: {  	[smem:$0x3FA9] =	sst s7  }
0x10: {  	[smem:$0x3FAA] =	sst s8  }
0x11: {  	[smem:$0x3FAB] =	sst s9;
	s0 =	simm.s32 @!p0 $0x0  }
0x12: {  	s1 =	sld [smem:$0x3F91];
	s0 =	simm.s32 @p0 $0x1  }
0x13: {  	[smem:$0x3FAC] =	sst s0;
	s0 =	simm.s32 @!p1 $0x0  }
0x14: {  	s2 =	sld [smem:$0x3F90];
	s0 =	simm.s32 @p1 $0x1  }
0x15: {  	[smem:$0x3FAD] =	sst s0;
	s0 =	simm.s32 @!p2 $0x0  }
0x16: {  	s3 =	sld [smem:$0x3FDB];
	s0 =	simm.s32 @p2 $0x1  }
0x17: {  	s4 =	simm.s32 $0x1BF5;
	[smem:$0x3FAF] =	sst s0  }
0x18: {  	s0 =	sld [smem:$0x3F92];
	_ =	swait.ge [sflag:s4], $0x0  }
0x19: {  	s7 =	sld [smem:$0x3F93]  }
0x1a: {  	s8 =	sadd.s32 $0xFFFFE003, lr  }
0x1b: {  	s9 =	sadd.s32 $0xFFFFFEF7, lr;
	s5 =	simm.s32 $0xFFFFFFFF;
	p2 =	slt.u32 s8, $0xFFFFF086  }
0x1c: {  	p1 =	slt.u32 s9, $0xF7A;
	s5 =	simm.s32 @!p2 $0x0  }
0x1d: {  	s5 =	simm.s32 @p1 $0x1;
	p0 =	seq.s32 s7, s2  }
0x1e: {  	s7 =	smul.u32 @!p0 $0xF7A, s2;
	p2 =	seq.s32 @!p0 s5, $0x0  }
0x1f: {  	s9 =	smul.u32 $0xF7A, s1;
	s8 =	simm.s32 @!p0 $0x1BF5;
	p2 =	por !p2, p0  }
0x20: {  	[sflag:s8] =	ssyncset.s32 @!p0 $0xFFFFF086;
	s6 =	sadd.s32 @!p0 s3, s7;
	s7 =	simm.s32 @!p0 $0x108  }
0x21: {  	s3 =	sadd.s32 s3, s9;
	s6 =	sadd.s32 @!p0 $0x88, s6;
	s7 =	simm.s32 @p2 $0x1082  }
0x22: {  	[simem:s7], [sflag:s8] =	dma.local @!p0 [hbm:s6], $0xF7A  }
0x23: {  	s9 =	sor.u32 $0xD0000000, s2;
	s6 =	simm.s32 $0x108;
	_ =	swait.ge @!p0 [sflag:s8], $0x0  }
0x24: {  	s3 =	sadd.s32 $0x88, s3;
	s6 =	simm.s32 @!p1 $0x1082;
	[sflag:s4] =	ssyncset.s32 $0xFFFFF086  }
0x25: {  	[simem:s6], [sflag:s4] =	dma.local [hbm:s3], $0xF7A  }
0x26: {  	[smem:$0x3F93] =	sst s1;
	(tag) =	ssettag s2;
	_ =	strace s9  }
0x27: {  	s1 =	sld [smem:$0x3FA3]  }
0x28: {  	s2 =	sld [smem:$0x3FA4]  }
0x29: {  	s4 =	sld [smem:$0x3FA6]  }
0x2a: {  	p0 =	seq.s32 s5, $0x0;
	s5 =	sld [smem:$0x3FA7]  }
0x2b: {  	s6 =	sld [smem:$0x3FA8]  }
0x2c: {  	s7 =	sld [smem:$0x3FA9]  }
0x2d: {  	s3 =	simm.s32 $0x108;
	s8 =	sld [smem:$0x3FAA]  }
0x2e: {  	s3 =	simm.s32 @!p0 $0x1082;
	s9 =	sld [smem:$0x3FAB]  }
0x2f: {  	lr =	sadd.s32 s0, s3;
	s0 =	sld [smem:$0x3FA2]  }
0x30: {  	s3 =	sld [smem:$0x3FA5]  }
0x31: {  	[smem:$0x3FAE] =	sst s10  }
0x32: {  	s10 =	sld [smem:$0x3FAC];
	_ =	sdelay $0x3  }
0x33: {  	p0 =	seq.s32 s10, $0x1;
	s10 =	sld [smem:$0x3FAE];
	_ =	sdelay $0x3  }
0x34: {  	[smem:$0x3FAE] =	sst s10  }
0x35: {  	s10 =	sld [smem:$0x3FAD];
	_ =	sdelay $0x3  }
0x36: {  	p1 =	seq.s32 s10, $0x1;
	s10 =	sld [smem:$0x3FAE];
	_ =	sdelay $0x3  }
0x37: {  	[smem:$0x3FAE] =	sst s10  }
0x38: {  	s10 =	sld [smem:$0x3FAF]  }
0x39: {  	_ = 	snop;
	(pc) =	sbr.ind lr, $3  }
0x3a: {  	_ = 	snop  }
0x3b: {  	_ = 	snop  }
0x3c: {  	p2 =	seq.s32 s10, $0x1;
	s10 =	sld [smem:$0x3FAE]  }
0x3d: {  	_ =	shalt  }
0x3e: {  	_ =	shalt  }
0x3f: {  	_ =	shalt  }
0x40: {  	_ =	shalt  }
0x41: {  	_ =	shalt  }
0x42: {  	_ =	shalt  }
0x43: {  	_ =	shalt  }
0x44: {  	_ =	shalt  }
0x45: {  	_ =	shalt  }
0x46: {  	_ =	shalt  }
0x47: {  	_ =	shalt  }
0x48: {  	_ =	shalt  }
0x49: {  	_ =	shalt  }
0x4a: {  	_ =	shalt  }
0x4b: {  	_ =	shalt  }
0x4c: {  	_ =	shalt  }
0x4d: {  	_ =	shalt  }
0x4e: {  	_ =	shalt  }
0x4f: {  	_ =	shalt  }
0x50: {  	_ =	shalt  }
0x51: {  	_ =	shalt  }
0x52: {  	_ =	shalt  }
0x53: {  	_ =	shalt  }
0x54: {  	_ =	shalt  }
0x55: {  	_ =	shalt  }
0x56: {  	_ =	shalt  }
0x57: {  	_ =	shalt  }
0x58: {  	_ =	shalt  }
0x59: {  	_ =	shalt  }
0x5a: {  	_ =	shalt  }
0x5b: {  	_ =	shalt  }
0x5c: {  	_ =	shalt  }
0x5d: {  	_ =	shalt  }
0x5e: {  	_ =	shalt  }
0x5f: {  	_ =	shalt  }
0x60: {  	_ =	shalt  }
0x61: {  	_ =	shalt  }
0x62: {  	_ =	shalt  }
0x63: {  	_ =	shalt  }
0x64: {  	_ =	shalt  }
0x65: {  	_ =	shalt  }
0x66: {  	_ =	shalt  }
0x67: {  	_ =	shalt  }
0x68: {  	_ =	shalt  }
0x69: {  	_ =	shalt  }
0x6a: {  	_ =	shalt  }
0x6b: {  	_ =	shalt  }
0x6c: {  	_ =	shalt  }
0x6d: {  	_ =	shalt  }
0x6e: {  	_ =	shalt  }
0x6f: {  	_ =	shalt  }
0x70: {  	_ =	shalt  }
0x71: {  	_ =	shalt  }
0x72: {  	_ =	shalt  }
0x73: {  	_ =	shalt  }
0x74: {  	_ =	shalt  }
0x75: {  	_ =	shalt  }
0x76: {  	_ =	shalt  }
0x77: {  	_ =	shalt  }
0x78: {  	_ =	shalt  }
0x79: {  	_ =	shalt  }
0x7a: {  	_ =	shalt  }
0x7b: {  	_ =	shalt  }
0x7c: {  	_ =	shalt  }
0x7d: {  	_ =	shalt  }
0x7e: {  	_ =	shalt  }
0x7f: {  	_ =	shalt  }
0x80: {  	_ =	shalt  }
0x81: {  	_ =	shalt  }
0x82: {  	_ =	shalt  }
0x83: {  	_ =	shalt  }
0x84: {  	_ =	shalt  }
0x85: {  	_ =	shalt  }
0x86: {  	_ =	shalt  }
0x87: {  	_ =	shalt  }
.Lfunc_end0:
.L_simem_size_0:
called_computation_lowered:
.L_overlay_start_0:
0x88: {  	s2 =	sld [smem:$0x3FD9]  }
0x89: {  	s3 =	sld [smem:$0x3FFE];
	_ =	sdelay $0x1  }
0x8a: {  	s1 =	srdreg.scid  }
0x8b: {  	s0 =	sand.u32 $0x1, s1  }
0x8c: {  	s17 =	sshll.u32 s0, $0xA;
	s2 =	sadd.s32 s3, s2  }
0x8d: {  	s2 =	sadd.s32 s2, s17  }
0x8e: {  	[smem:$0x3FBA] =	sst s2  }
0x8f: {  	_ = 	snop  }
0x90: {  	s2 =	sld [smem:$0x3FD0];
	(tm) =	ssettm $0x1  }
0x91: {  	s18 =	sld [smem:$0x3FFB];
	_ =	sdelay $0x3  }
0x92: {  	_ =	strace s18  }
0x93: {  	s3 =	sld [smem:$0x3FFC];
	_ =	sdelay $0x3  }
0x94: {  	_ =	strace s3  }
0x95: {  	s3 =	sld [smem:$0x3FFD];
	_ =	sdelay $0x3  }
0x96: {  	_ =	strace s3  }
0x97: {  	_ =	strace $0x8FFFFFFF  }
0x98: {  	s19 =	sld [smem:$0x3FDB];
	_ =	sdelay $0x1  }
0x99: {  	s4 =	simm.s32 $_scs_section_size  }
0x9a: {  	s5 =	simm.s32 $_size__tile_overlayer_lowered;
	s6 =	simm.s32 $_tile_overlayer_lowered  }
0x9b: {  	s22 =	simm.s32 $0x1BFF;
	s21 =	sshll.u32 s6, $0x1;
	s3 =	sadd.s32 s4, s19  }
0x9c: {  	s7 =	simm.s32 $0x0;
	s20 =	sshll.u32 s5, $0x1;
	s5 =	sadd.s32 s21, s3  }
0x9d: {  	[timem:s7], [sflag:s22] =	dma.local [hbm:s5], s20  }
0x9e: {  	_ =	swait.ge [sflag:s22], s20  }
0x9f: {  	s4 =	ssub.s32 $0x0, s20;
	[sflag:s22] =	ssyncset.done $0x0  }
0xa0: {  	[sflag:s22] =	ssyncadd.s32 s4;
	_ =	sdelay $0x1  }
0xa1: {  	s23 =	simm.s32 $0x1B8B  }
0xa2: {  	_ =	swait.ge [sflag:s23], $0x1  }
0xa3: {  	[sflag:s23] =	ssyncset.done $0x0  }
0xa4: {  	s25 =	simm.s32 $0x1B8E;
	s24 =	sld [smem:$0x3FFE];
	[sflag:s23] =	ssyncadd.s32 $0xFFFFFFFF  }
0xa5: {  	s26 =	simm.s32 $execute0_lowered;
	[smem:$0x3FD2] =	sst s25  }
0xa6: {  	s5 =	sshll.u32 s26, $0x1;
	_ =	strace $0x80000046;
	[dreg:$0x1] =	wrdreg $0xFFFFFFFF  }
0xa7: {  	s28 =	simm.s32 $_size_execute0_lowered;
	s3 =	sadd.s32 s3, s5;
	[dreg:$0x0] =	wrdreg $0x0  }
0xa8: {  	s5 =	sshll.u32 s28, $0x1;
	[dreg:$0x2] =	wrdreg s3  }
0xa9: {  	[dreg:$0x3] =	wrdreg s5  }
0xaa: {  	[dreg:$0x4] =	wrdreg $0xC0  }
0xab: {  	_ =	task [dreg:s7], $0x5FFFF  }
0xac: {  	[dreg:$0x1] =	wrdreg $0xFFFFFFFF  }
0xad: {  	[dreg:$0x0] =	wrdreg $0x60  }
0xae: {  	[dreg:$0x2] =	wrdreg s24  }
0xaf: {  	[dreg:$0x3] =	wrdreg s2  }
0xb0: {  	[dreg:$0x4] =	wrdreg $0x11E800  }
0xb1: {  	[dreg:$0x5] =	wrdreg $0x9  }
0xb2: {  	_ =	task.clear_ibuf [dreg:s7], $0x6FFFF;
	_ =	strace $0x90000046  }
0xb3: {  	s29 =	simm.s32 $0x9;
	_ =	strace $0x80000048  }
0xb4: {  	_ =	swait.ge [sflag:s29], $0x1  }
0xb5: {  	[sflag:s29] =	ssyncadd.s32 $0xFFFFFFFF  }
0xb6: {  	_ =	strace $0x90000048  }
0xb7: {  	_ =	sfence  }
0xb8: {  	s30 =	sld [smem:$0x0];
	_ =	sdelay $0x2  }
0xb9: {  	s31 =	sshll.u32 s1, $0xD;
	s1 =	sshrl.u32 s1, $0x2  }
0xba: {  	s3 =	sand.u32 $0x4000, s31;
	s1 =	sadd.s32 s1, s30  }
0xbb: {  	s0 =	sor.u32 s3, s0;
	s1 =	sshll.u32 s1, $0x11  }
0xbc: {  	s0 =	sor.u32 s1, s0  }
0xbd: {  	s0 =	sadd.s32 $0x8F2B, s0  }
0xbe: {  	[sflag:s0] =	ssyncadd.remote.s32 $0x1  }
0xbf: {  	_ =	sfence.sel $0xFFFF  }
0xc0: {  	[dreg:$0x0] =	wrdreg $0xFFFFFFFF;
	(pc) =	sbr.abs _section_cstart, $3  }
0xc1: {  	[dreg:$0x1] =	wrdreg $0xFFFFFFFF  }
0xc2: {  	_ =	task.clear_ibuf [dreg:s7], $0x2FFFF;
	_ =	strace $0x9FFFFFFF  }
0xc3: {  	(tm) =	ssettm $0x7FFFFFFF  }
tec
execute0_lowered:
.L_overlay_start_1:
0x0: {  	(tag) =	ssettag $0x1  }
0x1: {  	s5 =	rddreg [dreg:$0x0]  }
0x2: {  	s6 =	rddreg [dreg:$0x1]  }
0x3: {  	s2 =	rddreg [dreg:$0x2]  }
0x4: {  	s0 =	rddreg [dreg:$0x3];
	s3 =	simm.s32 $0x0;
	s1 =	stileid.u32  }
0x5: {  	s4 =	srdreg.scid;
	s16 =	simm.s32 $0x50;
	s17 =	simm.s32 $0xCE80  }
0x6: {  	s18 =	simm.s32 $0xF680;
	s19 =	simm.s32 $0x1;
	s7 =	smul.u32 $0x1500, s1  }
0x7: {  	s20 =	simm.s32 $0x2;
	s21 =	simm.s32 $0xCD80;
	s11 =	smul.u32 $0x1400, s1  }
0x8: {  	s22 =	simm.s32 $0xCDD0;
	[smem:$0x7FF] =	sst s3;
	s26 =	smul.u32 $0x2A000, s1  }
0x9: {  	s8 =	sand.u32 $0x1, s4;
	s4 =	sadd.s32 $0x12E00, s5;
	s29 =	smul.u32 $0x28000, s1  }
0xa: {  	s10 =	sshll.u32 s1, $0xC;
	s13 =	sshrl.u32 s1, $0x3;
	s9 =	smul.u32 $0x14000, s8  }
0xb: {  	s25 =	sshll.u32 s1, $0x7;
	s14 =	sshll.u32 s1, $0x6;
	s12 =	smul.u32 $0x4E800, s8  }
0xc: {  	_ =	strace $0x80000047;
	s10 =	sadd.s32 s10, s5;
	s23 =	smul.u32 $0x27400, s13  }
0xd: {  	s24 =	ssub.s32 $0x2, s8;
	s8 =	sand.u32 $0x380, s25;
	s14 =	sor.u32 $0x1C03, s14  }
0xe: {  	s7 =	sadd.s32 s7, s5;
	s28 =	sshrl.u32 s24, $0x1;
	s30 =	sshrl.u32 s26, $0x2  }
0xf: {  	s31 =	sshrl.u32 s29, $0x2;
	s9 =	sadd.s32 s11, s9;
	s11 =	sadd.s32 s12, s23  }
0x10: {  	s13 =	ssub.s32 s24, s28;
	s15 =	sadd.s32 s30, s2;
	s7 =	sadd.s32 $0x3AE00, s7  }
0x11: {  	s23 =	sadd.s32 s31, s2;
	s12 =	simm.s32 $0x400;
	s24 =	simm.s32 $0x0  }
0x12: {  	s9 =	sadd.s32 s9, s5;
	s8 =	sor.u32 s8, s11;
	s5 =	sadd.s32 $0x2E00, s10  }
0x13: {  	s10 =	simm.s32 $0x3;
	s11 =	simm.s32 $0x80;
	s8 =	sshrl.u32 s8, $0x3  }
0x14: {  	s15 =	sshrl.u32 s15, $0x3;
	s23 =	sshrl.u32 s23, $0x3;
	s6 =	sadd.s32 s6, s8  }
0x15: {  	s8 =	sadd.s32 $0x4FE00, s9;
	s9 =	smax.u32 s13, $0x1;
	s13 =	simm.s32 $0x8000  }
.LBB2_1:
0x16: {  	[tilespmem:s3], [sflag:$0x3] =	stream.linear.gather [hbm4b:s5+s3], $0x7D00, $0x38;
	[tilespmem:$0x1C680] =	vst v63  }
0x17: {  	_ =	swait.ge [sflag:s10], $0x7D00  }
0x18: {  	[sflag:s10] =	ssyncset.done $0x0  }
0x19: {  	[sflag:s10] =	ssyncadd.s32 $0xFFFF8300  }
0x1a: {  	[tilespmem:s13], [sflag:$0x3] =	stream.strided.gather [hbm4b:s6+s11], $0x4E80, s12, s11, $0x38;
	[tilespmem:$0x1C680] =	vst v63  }
0x1b: {  	_ =	swait.ge [sflag:s10], $0x4E80  }
0x1c: {  	[sflag:s10] =	ssyncset.done $0x0  }
0x1d: {  	[sflag:s10] =	ssyncadd.s32 $0xFFFFB180  }
0x1e: {  	[spmem:s15], [sflag:s14] =	dma.local [hbm:s7], $0x1500  }
0x1f: {  	_ =	swait.ge [sflag:s10], $0x1500  }
0x20: {  	[sflag:s10] =	ssyncset.done $0x0  }
0x21: {  	[sflag:s10] =	ssyncadd.s32 $0xFFFFEB00  }
0x22: {  	[bflag:$0x0] =	sbarrier.arrive $0xFFFF  }
0x23: {  	[tilespmem:s17], [sflag:$0x1] =	stream.indirect.gather [hbm4b:s4+s16], $0x80, s3, s16, $0xb8;
	[tilespmem:$0x1C680] =	vst v63  }
0x24: {  	_ = 	snop  }
0x25: {  	[tilespmem:s18], [sflag:$0x2] =	stream.indirect.gather [hbm4b:s4+s16], $0x80, s11, s16, $0xb8;
	[tilespmem:$0x1C680] =	vst v63  }
0x26: {  	_ =	swait.ge [sflag:s19], $0x2800  }
0x27: {  	[sflag:s19] =	ssyncset.done $0x0  }
0x28: {  	s25 =	simm.s32 $0x8000;
	[sflag:s19] =	ssyncadd.s32 $0xFFFFD800  }
0x29: {  	[spmem:s2] =	stream.indirect.scatter.add.f32 [tilespmem:s17], [sflag:$0x3], $0x80, s25, s16, $0xb8;
	[tilespmem:$0x1C680] =	vst v63  }
0x2a: {  	_ =	swait.ge [sflag:s10], $0x2800  }
0x2b: {  	[sflag:s10] =	ssyncset.done $0x0  }
0x2c: {  	s30 =	simm.s32 $0x100;
	[sflag:s10] =	ssyncadd.s32 $0xFFFFD800  }
0x2d: {  	[tilespmem:s17], [sflag:$0x1] =	stream.indirect.gather [hbm4b:s4+s16], $0x80, s30, s16, $0xb8;
	[tilespmem:$0x1C680] =	vst v63  }
0x2e: {  	_ =	swait.ge [sflag:s20], $0x2800  }
0x2f: {  	[sflag:s20] =	ssyncset.done $0x0  }
0x30: {  	s31 =	simm.s32 $0x8050;
	[sflag:s20] =	ssyncadd.s32 $0xFFFFD800  }
0x31: {  	[spmem:s2] =	stream.indirect.scatter.add.f32 [tilespmem:s18], [sflag:$0x3], $0x80, s31, s16, $0xb8;
	[tilespmem:$0x1C680] =	vst v63  }
0x32: {  	_ =	swait.ge [sflag:s10], $0x2800  }
0x33: {  	s26 =	simm.s32 $0x280;
	[sflag:s10] =	ssyncset.done $0x0  }
0x34: {  	s28 =	simm.s32 $0x280;
	s25 =	simm.s32 $0x180;
	[sflag:s10] =	ssyncadd.s32 $0xFFFFD800  }
.LBB2_2:
0x35: {  	[tilespmem:s18], [sflag:$0x2] =	stream.indirect.gather [hbm4b:s4+s16], $0x80, s25, s16, $0xb8;
	[tilespmem:$0x1C680] =	vst v63  }
0x36: {  	s29 =	smov.u32 s26;
	s25 =	smov.u32 s28  }
0x37: {  	p0 =	sne.s32 s26, $0x13380;
	s26 =	sadd.s32 $0x280, s26;
	_ =	swait.ge [sflag:s19], $0x2800  }
0x38: {  	s29 =	sshra.s32 s29, $0x2;
	[sflag:s19] =	ssyncset.done $0x0  }
0x39: {  	s30 =	sadd.s32 $0x8000, s29;
	[sflag:s19] =	ssyncadd.s32 $0xFFFFD800  }
0x3a: {  	[spmem:s2] =	stream.indirect.scatter.add.f32 [tilespmem:s17], [sflag:$0x3], $0x80, s30, s16, $0xb8;
	[tilespmem:$0x1C680] =	vst v63  }
0x3b: {  	_ =	swait.ge [sflag:s10], $0x2800  }
0x3c: {  	[sflag:s10] =	ssyncset.done $0x0  }
0x3d: {  	s30 =	sadd.s32 $0xFFFFFF80, s28;
	[sflag:s10] =	ssyncadd.s32 $0xFFFFD800  }
0x3e: {  	[tilespmem:s17], [sflag:$0x1] =	stream.indirect.gather [hbm4b:s4+s16], $0x80, s30, s16, $0xb8;
	[tilespmem:$0x1C680] =	vst v63  }
0x3f: {  	_ =	swait.ge [sflag:s20], $0x2800  }
0x40: {  	[sflag:s20] =	ssyncset.done $0x0  }
.Ltmp0:
0x41: {  	s29 =	sadd.s32 $0x8050, s29;
	[sflag:s20] =	ssyncadd.s32 $0xFFFFD800;
	(pc) =	sbr.rel @p0 .LBB2_2-.Ltmp0, $4  }
0x42: {  	[spmem:s2] =	stream.indirect.scatter.add.f32 [tilespmem:s18], [sflag:$0x3], $0x80, s29, s16, $0xb8;
	[tilespmem:$0x1C680] =	vst v63  }
0x43: {  	_ =	swait.ge [sflag:s10], $0x2800  }
0x44: {  	[sflag:s10] =	ssyncset.done $0x0  }
0x45: {  	s28 =	sadd.s32 $0x100, s28;
	[sflag:s10] =	ssyncadd.s32 $0xFFFFD800  }
0x46: {  	[tilespmem:s18], [sflag:$0x2] =	stream.indirect.gather [hbm4b:s4+s16], $0x80, s25, s16, $0xb8;
	[tilespmem:$0x1C680] =	vst v63  }
0x47: {  	_ =	swait.ge [sflag:s19], $0x2800  }
0x48: {  	[sflag:s19] =	ssyncset.done $0x0  }
0x49: {  	[sflag:s19] =	ssyncadd.s32 $0xFFFFD800  }
0x4a: {  	[spmem:s2] =	stream.indirect.scatter.add.f32 [tilespmem:s17], [sflag:$0x3], $0x80, s21, s16, $0xb8;
	[tilespmem:$0x1C680] =	vst v63  }
0x4b: {  	_ =	swait.ge [sflag:s10], $0x2800  }
0x4c: {  	[sflag:s10] =	ssyncset.done $0x0  }
0x4d: {  	[sflag:s10] =	ssyncadd.s32 $0xFFFFD800  }
0x4e: {  	_ =	swait.ge [sflag:s20], $0x2800  }
0x4f: {  	[sflag:s20] =	ssyncset.done $0x0  }
0x50: {  	[sflag:s20] =	ssyncadd.s32 $0xFFFFD800  }
0x51: {  	[spmem:s2] =	stream.indirect.scatter.add.f32 [tilespmem:s18], [sflag:$0x3], $0x80, s22, s16, $0xb8;
	[tilespmem:$0x1C680] =	vst v63  }
0x52: {  	_ =	swait.ge [sflag:s10], $0x2800  }
0x53: {  	s24 =	sadd.s32 $0x1, s24;
	[sflag:s10] =	ssyncset.done $0x0  }
0x54: {  	p0 =	sne.s32 s24, s9;
	[sflag:s10] =	ssyncadd.s32 $0xFFFFD800  }
.Ltmp1:
0x55: {  	[bflag:$0x0] =	sbarrier.arrive $0xFFFF;
	(pc) =	sbr.rel @p0 .LBB2_1-.Ltmp1, $4  }
0x56: {  	[hbm:s8], [sflag:s14] =	dma.local [spmem:s23], $0x1400  }
0x57: {  	_ =	swait.ge [sflag:s10], $0x1400  }
0x58: {  	[sflag:s10] =	ssyncset.done $0x0  }
0x59: {  	[sflag:s10] =	ssyncadd.s32 $0xFFFFEC00  }
0x5a: {  	_ =	sfence.sel $0x180000  }
0x5b: {  	[bflag:$0x0] =	sbarrier.arrive $0xFFFF  }
0x5c: {  	p0 =	sne.s32 s1, $0x0;
	_ =	strace $0x90000047  }
0x5d: {  	s0 =	sadd.s32 @!p0 $0x100000, s0;
	[bflag:$0x2] =	sbarrier.arrive $0xFFFF  }
0x5e: {  	[sflag:s0] =	ssyncadd.tile.s32 @!p0 $0x1;
	_ =	shalt  }
.Lfunc_end2:
_tile_overlayer_lowered:
.L_overlay_start_2:
0x5f: {  	(tag) =	ssettag $0x2  }
0x60: {  	s0 =	rddreg [dreg:$0x0];
	s2 =	stileid.u32  }
0x61: {  	s1 =	rddreg [dreg:$0x1];
	p0 =	sne.s32 s2, $0x0  }
0x62: {  	s3 =	rddreg [dreg:$0x2];
	[bflag:$0x3] =	sbarrier.arrive $0xFFFF;
	s2 =	simm.s32 @!p0 $0x1C03  }
0x63: {  	[timem:s3], [sflag:s2] =	dma.local @!p0 [hbm:s0], s1  }
0x64: {  	s0 =	simm.s32 @!p0 $0x3  }
0x65: {  	_ =	swait.ge @!p0 [sflag:s0], s1  }
0x66: {  	s1 =	ssub.s32 @!p0 $0x0, s1;
	[sflag:s0] =	ssyncset.done @!p0 $0x0  }
0x67: {  	[sflag:s0] =	ssyncadd.s32 @!p0 s1  }
0x68: {  	[bflag:$0x3] =	sbarrier.arrive $0xFFFF  }
0x69: {  	_ =	shalt  }

</sc_bundles>
